<compile_context>
chip_gen: v7x
topology: tpu7x:2x2x1
jax: 0.10.2.dev20260603
libtpu: 0.0.44.dev20260713+nightly
codegen_flags: <defaults>
</compile_context>

<pallas_src>
import functools

import jax
import jax.numpy as jnp
from jax import lax
from jax.experimental import pallas as pl
from jax.experimental.pallas import tpu as pltpu
from jax.experimental.pallas import tpu_sc as plsc

D = 64
DPAD = 128
SCALE = 0.125
NUM_WORKERS = 32
ROW_UNROLL = 8


def kernel(inputs, table):
    B, S = inputs.shape
    rows_per_worker = B // NUM_WORKERS
    assert B % NUM_WORKERS == 0 and rows_per_worker % 2 == 0 and S % 8 == 0

    mesh = plsc.VectorSubcoreMesh(core_axis_name="c", subcore_axis_name="s")

    @functools.partial(
        pl.kernel,
        out_type=jax.ShapeDtypeStruct((B, S, DPAD), jnp.float32),
        mesh=mesh,
        compiler_params=pltpu.CompilerParams(use_tc_tiling_on_sc=False),
        scratch_types=[
            pltpu.VMEM((rows_per_worker, S), jnp.int32),
            pltpu.VMEM((S, D), jnp.float32),
            pltpu.VMEM((S, D), jnp.float32),
            pltpu.VMEM((S, D), jnp.float32),
            pltpu.VMEM((S, D), jnp.float32),
            pltpu.SemaphoreType.DMA,
            pltpu.SemaphoreType.DMA,
            pltpu.SemaphoreType.DMA,
            pltpu.SemaphoreType.DMA,
        ],
    )
    def emb(table_hbm, idx_hbm, out_hbm, idx_v, g0, g1, o0, o1,
            gsem0, gsem1, osem0, osem1):
        gbuf = (g0, g1)
        obuf = (o0, o1)
        gsem = (gsem0, gsem1)
        osem = (osem0, osem1)
        wid = lax.axis_index("s") * 2 + lax.axis_index("c")
        base_row = wid * rows_per_worker

        pltpu.sync_copy(idx_hbm.at[pl.ds(base_row, rows_per_worker)], idx_v)

        def gather_start(r, b):
            src = table_hbm.at[idx_v.at[r]]
            pltpu.make_async_copy(src, gbuf[b], gsem[b]).start()

        def gather_wait(r, b):
            src = table_hbm.at[idx_v.at[r]]
            pltpu.make_async_copy(src, gbuf[b], gsem[b]).wait()

        def out_start(r, b):
            dst = out_hbm.at[base_row + r, :, pl.ds(0, D)]
            pltpu.make_async_copy(obuf[b], dst, osem[b]).start()

        def out_wait(r, b):
            dst = out_hbm.at[base_row + r, :, pl.ds(0, D)]
            pltpu.make_async_copy(obuf[b], dst, osem[b]).wait()

        gather_start(0, 0)
        gather_start(1, 1)

        @pl.loop(0, rows_per_worker, step=2)
        def _(s):
            for b in range(2):
                cur = s + b
                gather_wait(cur, b)

                @pl.when(cur >= 2)
                def _():
                    out_wait(cur - 2, b)

                @pl.loop(0, S, step=ROW_UNROLL)
                def _(j):
                    for u in range(ROW_UNROLL):
                        src = gbuf[b].at[j + u]
                        dst = obuf[b].at[j + u]
                        for c in range(0, D, 16):
                            dst[pl.ds(c, 16)] = src[pl.ds(c, 16)] * SCALE


                out_start(cur, b)

                @pl.when(cur + 2 < rows_per_worker)
                def _():
                    gather_start(cur + 2, b)

        out_wait(rows_per_worker - 2, 0)
        out_wait(rows_per_worker - 1, 1)

    out = emb(table, inputs)
    return out[:, :, :D]

# --- scband reference (transcript-rebuilt; emitter-appended) ---
"""Pipeline reference for scband-embedding-40553081209236 (READ-ONLY COPY).

The authoritative reference and input builder live on the scoring server;
editing this copy changes nothing except your own understanding.
"""

import jax, jax.numpy as jnp
import numpy as np

VOCAB = 1000000
D_MODEL = 64
PADDING_IDX = 0


def setup_inputs(seed: int = 0) -> dict:
    key = jax.random.key(seed)
    k_idx, k_tab = jax.random.split(key)
    inputs = jax.random.randint(k_idx, (4096, 200), 0, VOCAB, dtype=jnp.int32)
    table = jax.random.normal(k_tab, (VOCAB, D_MODEL), dtype=jnp.float32)
    # nn.Embedding with padding_idx zeroes that row at init
    table = table.at[PADDING_IDX].set(0.0)
    return {"inputs": inputs, "table": table}


def reference(inputs, table):
    scale = jnp.asarray(1.0 / (D_MODEL ** 0.5), dtype=table.dtype)
    emb = jnp.take(table, inputs, axis=0)
    return emb * scale

if __name__ == "__main__":
    import jax
    _d = setup_inputs()
    print(jax.jit(kernel)(*tuple(_d.values())))

</pallas_src>

<mosaic_0001>
#map = affine_map<(d0, d1) -> (0, 0)>
#map1 = affine_map<(d0, d1) -> (0, 0, 0)>
module attributes {stable_mosaic.version = 14 : i64} {
  func.func @emb(%arg0: i32, %arg1: i32, %arg2: memref<1000000x64xf32, #tpu.memory_space<hbm>>, %arg3: memref<4096x200xi32, #tpu.memory_space<hbm>>, %arg4: memref<4096x200x128xf32, #tpu.memory_space<hbm>>, %arg5: memref<128x200xi32, #tpu.memory_space<vmem>>, %arg6: memref<200x64xf32, #tpu.memory_space<vmem>>, %arg7: memref<200x64xf32, #tpu.memory_space<vmem>>, %arg8: memref<200x64xf32, #tpu.memory_space<vmem>>, %arg9: memref<200x64xf32, #tpu.memory_space<vmem>>, %arg10: memref<!tpu.dma_semaphore, #tpu.memory_space<semaphore_mem>>, %arg11: memref<!tpu.dma_semaphore, #tpu.memory_space<semaphore_mem>>, %arg12: memref<!tpu.dma_semaphore, #tpu.memory_space<semaphore_mem>>, %arg13: memref<!tpu.dma_semaphore, #tpu.memory_space<semaphore_mem>>) attributes {dimension_semantics = [#tpu.dimension_semantics<core_parallel>, #tpu.dimension_semantics<subcore_parallel>], iteration_bounds = array<i64: 2, 16>, scalar_prefetch = 0 : i64, scratch_operands = 9 : i64, tpu.core_type = #tpu.core_type<sc_vector_subcore>, window_params = [{transform_indices = #map}, {transform_indices = #map}, {transform_indices = #map1}]} {
    %mul3A = arith.constant 2 : i32
    %mul3A_0 = arith.muli %arg1, %mul3A : i32
    %add3A = arith.addi %mul3A_0, %arg0 : i32
    %mul3A_1 = arith.constant 128 : i32
    %mul3A_2 = arith.muli %add3A, %mul3A_1 : i32
    "tpu.region"() ({
      %run_scoped3A = tpu.sem_alloc : memref<!tpu.dma_semaphore, #tpu.memory_space<semaphore_mem>>
      %dma_start3A_39 = arith.constant 0 : i32
      %dma_start3A_40 = tpu.memref_slice %arg3[%mul3A_2, %dma_start3A_39] : memref<4096x200xi32, #tpu.memory_space<hbm>> -> memref<128x200xi32, #tpu.memory_space<hbm>>
      %dma_start3A_41 = arith.constant 0 : i32
      %dma_start3A_42 = tpu.memref_slice %arg3[%mul3A_2, %dma_start3A_41] : memref<4096x200xi32, #tpu.memory_space<hbm>> -> memref<128x200xi32, #tpu.memory_space<hbm>>
      tpu.enqueue_dma source(%dma_start3A_42 : memref<128x200xi32, #tpu.memory_space<hbm>>) target(%arg5 : memref<128x200xi32, #tpu.memory_space<vmem>>) target_semaphore(%run_scoped3A : memref<!tpu.dma_semaphore, #tpu.memory_space<semaphore_mem>>)
      %dma_wait3A_43 = arith.constant 0 : i32
      %dma_wait3A_44 = tpu.memref_slice %arg3[%mul3A_2, %dma_wait3A_43] : memref<4096x200xi32, #tpu.memory_space<hbm>> -> memref<128x200xi32, #tpu.memory_space<hbm>>
      %dma_wait3A_45 = arith.constant 0 : i32
      %dma_wait3A_46 = tpu.memref_slice %arg3[%mul3A_2, %dma_wait3A_45] : memref<4096x200xi32, #tpu.memory_space<hbm>> -> memref<128x200xi32, #tpu.memory_space<hbm>>
      tpu.wait_dma2 semaphore(%run_scoped3A : memref<!tpu.dma_semaphore, #tpu.memory_space<semaphore_mem>>) src(%dma_wait3A_46 : memref<128x200xi32, #tpu.memory_space<hbm>>) dst(%arg5 : memref<128x200xi32, #tpu.memory_space<vmem>>)
      tpu.yield
    }) : () -> ()
    %dma_start3A = arith.constant 0 : i32
    %dma_start3A_3 = arith.constant 0 : i32
    %dma_start3A_4 = tpu.memref_slice %arg5[%dma_start3A, %dma_start3A_3] : memref<128x200xi32, #tpu.memory_space<vmem>> -> memref<1x200xi32, #tpu.memory_space<vmem>>
    %dma_start3A_5 = tpu.memref_squeeze %dma_start3A_4 : memref<1x200xi32, #tpu.memory_space<vmem>> -> memref<200xi32, #tpu.memory_space<vmem>>
    %dma_start3A_6 = arith.constant 0 : i32
    %dma_start3A_7 = arith.constant 0 : i32
    %dma_start3A_8 = tpu.memref_slice %arg2[%dma_start3A_6, %dma_start3A_7] : memref<1000000x64xf32, #tpu.memory_space<hbm>> -> memref<1000000x64xf32, #tpu.memory_space<hbm>>
    tpu.enqueue_indirect_dma source(%dma_start3A_8 : memref<1000000x64xf32, #tpu.memory_space<hbm>>) target(%arg6 : memref<200x64xf32, #tpu.memory_space<vmem>>) offsets(%dma_start3A_5 : memref<200xi32, #tpu.memory_space<vmem>>) semaphore(%arg10 : memref<!tpu.dma_semaphore, #tpu.memory_space<semaphore_mem>>)
    %dma_start3A_9 = arith.constant 1 : i32
    %dma_start3A_10 = arith.constant 0 : i32
    %dma_start3A_11 = tpu.memref_slice %arg5[%dma_start3A_9, %dma_start3A_10] : memref<128x200xi32, #tpu.memory_space<vmem>> -> memref<1x200xi32, #tpu.memory_space<vmem>>
    %dma_start3A_12 = tpu.memref_squeeze %dma_start3A_11 : memref<1x200xi32, #tpu.memory_space<vmem>> -> memref<200xi32, #tpu.memory_space<vmem>>
    %dma_start3A_13 = arith.constant 0 : i32
    %dma_start3A_14 = arith.constant 0 : i32
    %dma_start3A_15 = tpu.memref_slice %arg2[%dma_start3A_13, %dma_start3A_14] : memref<1000000x64xf32, #tpu.memory_space<hbm>> -> memref<1000000x64xf32, #tpu.memory_space<hbm>>
    tpu.enqueue_indirect_dma source(%dma_start3A_15 : memref<1000000x64xf32, #tpu.memory_space<hbm>>) target(%arg7 : memref<200x64xf32, #tpu.memory_space<vmem>>) offsets(%dma_start3A_12 : memref<200xi32, #tpu.memory_space<vmem>>) semaphore(%arg11 : memref<!tpu.dma_semaphore, #tpu.memory_space<semaphore_mem>>)
    %scan3A = arith.constant 0 : i32
    %scan3A_16 = arith.constant 64 : i32
    %scan3A_17 = arith.addi %scan3A, %scan3A_16 : i32
    %scan3A_18 = arith.constant 1 : i32
    scf.for %scan3A_39 = %scan3A to %scan3A_17 step %scan3A_18  : i32 {
      %mul3A_40 = arith.constant 2 : i32
      %mul3A_41 = arith.muli %scan3A_39, %mul3A_40 : i32
      %add3A_42 = arith.constant 0 : i32
      %add3A_43 = arith.addi %add3A_42, %mul3A_41 : i32
      %add3A_44 = arith.constant 0 : i32
      %add3A_45 = arith.addi %add3A_43, %add3A_44 : i32
      %dma_wait3A_46 = arith.constant 0 : i32
      %dma_wait3A_47 = tpu.memref_slice %arg5[%add3A_45, %dma_wait3A_46] : memref<128x200xi32, #tpu.memory_space<vmem>> -> memref<1x200xi32, #tpu.memory_space<vmem>>
      %dma_wait3A_48 = tpu.memref_squeeze %dma_wait3A_47 : memref<1x200xi32, #tpu.memory_space<vmem>> -> memref<200xi32, #tpu.memory_space<vmem>>
      %dma_wait3A_49 = arith.constant 0 : i32
      %dma_wait3A_50 = arith.constant 0 : i32
      %dma_wait3A_51 = tpu.memref_slice %arg2[%dma_wait3A_49, %dma_wait3A_50] : memref<1000000x64xf32, #tpu.memory_space<hbm>> -> memref<1000000x64xf32, #tpu.memory_space<hbm>>
      tpu.wait_indirect_dma semaphore(%arg10 : memref<!tpu.dma_semaphore, #tpu.memory_space<semaphore_mem>>) src(%dma_wait3A_51 : memref<1000000x64xf32, #tpu.memory_space<hbm>>) dst(%arg6 : memref<200x64xf32, #tpu.memory_space<vmem>>)
      %ge3A = arith.constant 2 : i32
      %ge3A_52 = arith.cmpi sge, %add3A_45, %ge3A : i32
      %convert_element_type3A = arith.extui %ge3A_52 : i1 to i32
      %cond3A = arith.constant 0 : i32
      %cond3A_53 = arith.cmpi ne, %convert_element_type3A, %cond3A : i32
      scf.if %cond3A_53 {
        %sub3A = arith.constant 2 : i32
        %sub3A_108 = arith.subi %add3A_45, %sub3A : i32
        %add3A_109 = arith.addi %mul3A_2, %sub3A_108 : i32
        %dma_wait3A_110 = arith.constant 0 : i32
        %dma_wait3A_111 = arith.constant 0 : i32
        %dma_wait3A_112 = tpu.memref_slice %arg4[%add3A_109, %dma_wait3A_110, %dma_wait3A_111] : memref<4096x200x128xf32, #tpu.memory_space<hbm>> -> memref<1x200x64xf32, #tpu.memory_space<hbm>>
        %dma_wait3A_113 = tpu.memref_squeeze %dma_wait3A_112 : memref<1x200x64xf32, #tpu.memory_space<hbm>> -> memref<200x64xf32, #tpu.memory_space<hbm>>
        %dma_wait3A_114 = arith.constant 0 : i32
        %dma_wait3A_115 = arith.constant 0 : i32
        %dma_wait3A_116 = tpu.memref_slice %arg4[%add3A_109, %dma_wait3A_114, %dma_wait3A_115] : memref<4096x200x128xf32, #tpu.memory_space<hbm>> -> memref<1x200x64xf32, #tpu.memory_space<hbm>>
        %dma_wait3A_117 = tpu.memref_squeeze %dma_wait3A_116 : memref<1x200x64xf32, #tpu.memory_space<hbm>> -> memref<200x64xf32, #tpu.memory_space<hbm>>
        tpu.wait_dma2 semaphore(%arg12 : memref<!tpu.dma_semaphore, #tpu.memory_space<semaphore_mem>>) src(%arg8 : memref<200x64xf32, #tpu.memory_space<vmem>>) dst(%dma_wait3A_117 : memref<200x64xf32, #tpu.memory_space<hbm>>)
      } else {
      }
      %scan3A_54 = arith.constant 0 : i32
      %scan3A_55 = arith.constant 25 : i32
      %scan3A_56 = arith.addi %scan3A_54, %scan3A_55 : i32
      %scan3A_57 = arith.constant 1 : i32
      scf.for %scan3A_108 = %scan3A_54 to %scan3A_56 step %scan3A_57  : i32 {
        %mul3A_109 = arith.constant 8 : i32
        %mul3A_110 = arith.muli %scan3A_108, %mul3A_109 : i32
        %add3A_111 = arith.constant 0 : i32
        %add3A_112 = arith.addi %add3A_111, %mul3A_110 : i32
        %add3A_113 = arith.constant 0 : i32
        %add3A_114 = arith.addi %add3A_112, %add3A_113 : i32
        %add3A_115 = arith.constant 0 : i32
        %add3A_116 = arith.addi %add3A_112, %add3A_115 : i32
        %get3A = arith.constant 0 : i32
        %get3A_117 = tpu.memref_slice %arg6[%add3A_114, %get3A] : memref<200x64xf32, #tpu.memory_space<vmem>> -> memref<1x64xf32, #tpu.memory_space<vmem>>
        %get3A_118 = tpu.memref_squeeze %get3A_117 : memref<1x64xf32, #tpu.memory_space<vmem>> -> memref<64xf32, #tpu.memory_space<vmem>>
        %get3A_119 = arith.constant 0 : index
        %get3A_120 = tpu.vector_load %get3A_118[%get3A_119] {strides = array<i32>} : memref<64xf32, #tpu.memory_space<vmem>>, vector<16xf32>,
        %get3A_121 = vector.shape_cast %get3A_120 : vector<16xf32> to vector<16xf32>
        %mul3A_122 = arith.constant 1.250000e-01 : f32
        %mul3A_123 = vector.broadcast %mul3A_122 : f32 to vector<16xf32>
        %mul3A_124 = arith.mulf %get3A_121, %mul3A_123 : vector<16xf32>
        %swap3A = arith.constant 0 : i32
        %swap3A_125 = tpu.memref_slice %arg8[%add3A_116, %swap3A] : memref<200x64xf32, #tpu.memory_space<vmem>> -> memref<1x64xf32, #tpu.memory_space<vmem>>
        %swap3A_126 = tpu.memref_squeeze %swap3A_125 : memref<1x64xf32, #tpu.memory_space<vmem>> -> memref<64xf32, #tpu.memory_space<vmem>>
        %swap3A_127 = arith.constant 0 : index
        %swap3A_128 = tpu.vector_load %swap3A_126[%swap3A_127] {strides = array<i32>} : memref<64xf32, #tpu.memory_space<vmem>>, vector<16xf32>,
        %swap3A_129 = vector.shape_cast %swap3A_128 : vector<16xf32> to vector<16xf32>
        %swap3A_130 = vector.shape_cast %mul3A_124 : vector<16xf32> to vector<16xf32>
        tpu.vector_store %swap3A_126[%swap3A_127], %swap3A_130 {strides = array<i32>} : memref<64xf32, #tpu.memory_space<vmem>>, vector<16xf32>,
        %get3A_131 = arith.constant 0 : i32
        %get3A_132 = tpu.memref_slice %arg6[%add3A_114, %get3A_131] : memref<200x64xf32, #tpu.memory_space<vmem>> -> memref<1x64xf32, #tpu.memory_space<vmem>>
        %get3A_133 = tpu.memref_squeeze %get3A_132 : memref<1x64xf32, #tpu.memory_space<vmem>> -> memref<64xf32, #tpu.memory_space<vmem>>
        %get3A_134 = arith.constant 16 : index
        %get3A_135 = tpu.vector_load %get3A_133[%get3A_134] {strides = array<i32>} : memref<64xf32, #tpu.memory_space<vmem>>, vector<16xf32>,
        %get3A_136 = vector.shape_cast %get3A_135 : vector<16xf32> to vector<16xf32>
        %mul3A_137 = arith.constant 1.250000e-01 : f32
        %mul3A_138 = vector.broadcast %mul3A_137 : f32 to vector<16xf32>
        %mul3A_139 = arith.mulf %get3A_136, %mul3A_138 : vector<16xf32>
        %swap3A_140 = arith.constant 0 : i32
        %swap3A_141 = tpu.memref_slice %arg8[%add3A_116, %swap3A_140] : memref<200x64xf32, #tpu.memory_space<vmem>> -> memref<1x64xf32, #tpu.memory_space<vmem>>
        %swap3A_142 = tpu.memref_squeeze %swap3A_141 : memref<1x64xf32, #tpu.memory_space<vmem>> -> memref<64xf32, #tpu.memory_space<vmem>>
        %swap3A_143 = arith.constant 16 : index
        %swap3A_144 = tpu.vector_load %swap3A_142[%swap3A_143] {strides = array<i32>} : memref<64xf32, #tpu.memory_space<vmem>>, vector<16xf32>,
        %swap3A_145 = vector.shape_cast %swap3A_144 : vector<16xf32> to vector<16xf32>
        %swap3A_146 = vector.shape_cast %mul3A_139 : vector<16xf32> to vector<16xf32>
        tpu.vector_store %swap3A_142[%swap3A_143], %swap3A_146 {strides = array<i32>} : memref<64xf32, #tpu.memory_space<vmem>>, vector<16xf32>,
        %get3A_147 = arith.constant 0 : i32
        %get3A_148 = tpu.memref_slice %arg6[%add3A_114, %get3A_147] : memref<200x64xf32, #tpu.memory_space<vmem>> -> memref<1x64xf32, #tpu.memory_space<vmem>>
        %get3A_149 = tpu.memref_squeeze %get3A_148 : memref<1x64xf32, #tpu.memory_space<vmem>> -> memref<64xf32, #tpu.memory_space<vmem>>
        %get3A_150 = arith.constant 32 : index
        %get3A_151 = tpu.vector_load %get3A_149[%get3A_150] {strides = array<i32>} : memref<64xf32, #tpu.memory_space<vmem>>, vector<16xf32>,
        %get3A_152 = vector.shape_cast %get3A_151 : vector<16xf32> to vector<16xf32>
        %mul3A_153 = arith.constant 1.250000e-01 : f32
        %mul3A_154 = vector.broadcast %mul3A_153 : f32 to vector<16xf32>
        %mul3A_155 = arith.mulf %get3A_152, %mul3A_154 : vector<16xf32>
        %swap3A_156 = arith.constant 0 : i32
        %swap3A_157 = tpu.memref_slice %arg8[%add3A_116, %swap3A_156] : memref<200x64xf32, #tpu.memory_space<vmem>> -> memref<1x64xf32, #tpu.memory_space<vmem>>
        %swap3A_158 = tpu.memref_squeeze %swap3A_157 : memref<1x64xf32, #tpu.memory_space<vmem>> -> memref<64xf32, #tpu.memory_space<vmem>>
        %swap3A_159 = arith.constant 32 : index
        %swap3A_160 = tpu.vector_load %swap3A_158[%swap3A_159] {strides = array<i32>} : memref<64xf32, #tpu.memory_space<vmem>>, vector<16xf32>,
        %swap3A_161 = vector.shape_cast %swap3A_160 : vector<16xf32> to vector<16xf32>
        %swap3A_162 = vector.shape_cast %mul3A_155 : vector<16xf32> to vector<16xf32>
        tpu.vector_store %swap3A_158[%swap3A_159], %swap3A_162 {strides = array<i32>} : memref<64xf32, #tpu.memory_space<vmem>>, vector<16xf32>,
        %get3A_163 = arith.constant 0 : i32
        %get3A_164 = tpu.memref_slice %arg6[%add3A_114, %get3A_163] : memref<200x64xf32, #tpu.memory_space<vmem>> -> memref<1x64xf32, #tpu.memory_space<vmem>>
        %get3A_165 = tpu.memref_squeeze %get3A_164 : memref<1x64xf32, #tpu.memory_space<vmem>> -> memref<64xf32, #tpu.memory_space<vmem>>
        %get3A_166 = arith.constant 48 : index
        %get3A_167 = tpu.vector_load %get3A_165[%get3A_166] {strides = array<i32>} : memref<64xf32, #tpu.memory_space<vmem>>, vector<16xf32>,
        %get3A_168 = vector.shape_cast %get3A_167 : vector<16xf32> to vector<16xf32>
        %mul3A_169 = arith.constant 1.250000e-01 : f32
        %mul3A_170 = vector.broadcast %mul3A_169 : f32 to vector<16xf32>
        %mul3A_171 = arith.mulf %get3A_168, %mul3A_170 : vector<16xf32>
        %swap3A_172 = arith.constant 0 : i32
        %swap3A_173 = tpu.memref_slice %arg8[%add3A_116, %swap3A_172] : memref<200x64xf32, #tpu.memory_space<vmem>> -> memref<1x64xf32, #tpu.memory_space<vmem>>
        %swap3A_174 = tpu.memref_squeeze %swap3A_173 : memref<1x64xf32, #tpu.memory_space<vmem>> -> memref<64xf32, #tpu.memory_space<vmem>>
        %swap3A_175 = arith.constant 48 : index
        %swap3A_176 = tpu.vector_load %swap3A_174[%swap3A_175] {strides = array<i32>} : memref<64xf32, #tpu.memory_space<vmem>>, vector<16xf32>,
        %swap3A_177 = vector.shape_cast %swap3A_176 : vector<16xf32> to vector<16xf32>
        %swap3A_178 = vector.shape_cast %mul3A_171 : vector<16xf32> to vector<16xf32>
        tpu.vector_store %swap3A_174[%swap3A_175], %swap3A_178 {strides = array<i32>} : memref<64xf32, #tpu.memory_space<vmem>>, vector<16xf32>,
        %add3A_179 = arith.constant 1 : i32
        %add3A_180 = arith.addi %add3A_112, %add3A_179 : i32
        %add3A_181 = arith.constant 1 : i32
        %add3A_182 = arith.addi %add3A_112, %add3A_181 : i32
        %get3A_183 = arith.constant 0 : i32
        %get3A_184 = tpu.memref_slice %arg6[%add3A_180, %get3A_183] : memref<200x64xf32, #tpu.memory_space<vmem>> -> memref<1x64xf32, #tpu.memory_space<vmem>>
        %get3A_185 = tpu.memref_squeeze %get3A_184 : memref<1x64xf32, #tpu.memory_space<vmem>> -> memref<64xf32, #tpu.memory_space<vmem>>
        %get3A_186 = arith.constant 0 : index
        %get3A_187 = tpu.vector_load %get3A_185[%get3A_186] {strides = array<i32>} : memref<64xf32, #tpu.memory_space<vmem>>, vector<16xf32>,
        %get3A_188 = vector.shape_cast %get3A_187 : vector<16xf32> to vector<16xf32>
        %mul3A_189 = arith.constant 1.250000e-01 : f32
        %mul3A_190 = vector.broadcast %mul3A_189 : f32 to vector<16xf32>
        %mul3A_191 = arith.mulf %get3A_188, %mul3A_190 : vector<16xf32>
        %swap3A_192 = arith.constant 0 : i32
        %swap3A_193 = tpu.memref_slice %arg8[%add3A_182, %swap3A_192] : memref<200x64xf32, #tpu.memory_space<vmem>> -> memref<1x64xf32, #tpu.memory_space<vmem>>
        %swap3A_194 = tpu.memref_squeeze %swap3A_193 : memref<1x64xf32, #tpu.memory_space<vmem>> -> memref<64xf32, #tpu.memory_space<vmem>>
        %swap3A_195 = arith.constant 0 : index
        %swap3A_196 = tpu.vector_load %swap3A_194[%swap3A_195] {strides = array<i32>} : memref<64xf32, #tpu.memory_space<vmem>>, vector<16xf32>,
        %swap3A_197 = vector.shape_cast %swap3A_196 : vector<16xf32> to vector<16xf32>
        %swap3A_198 = vector.shape_cast %mul3A_191 : vector<16xf32> to vector<16xf32>
        tpu.vector_store %swap3A_194[%swap3A_195], %swap3A_198 {strides = array<i32>} : memref<64xf32, #tpu.memory_space<vmem>>, vector<16xf32>,
        %get3A_199 = arith.constant 0 : i32
        %get3A_200 = tpu.memref_slice %arg6[%add3A_180, %get3A_199] : memref<200x64xf32, #tpu.memory_space<vmem>> -> memref<1x64xf32, #tpu.memory_space<vmem>>
        %get3A_201 = tpu.memref_squeeze %get3A_200 : memref<1x64xf32, #tpu.memory_space<vmem>> -> memref<64xf32, #tpu.memory_space<vmem>>
        %get3A_202 = arith.constant 16 : index
        %get3A_203 = tpu.vector_load %get3A_201[%get3A_202] {strides = array<i32>} : memref<64xf32, #tpu.memory_space<vmem>>, vector<16xf32>,
        %get3A_204 = vector.shape_cast %get3A_203 : vector<16xf32> to vector<16xf32>
        %mul3A_205 = arith.constant 1.250000e-01 : f32
        %mul3A_206 = vector.broadcast %mul3A_205 : f32 to vector<16xf32>
        %mul3A_207 = arith.mulf %get3A_204, %mul3A_206 : vector<16xf32>
        %swap3A_208 = arith.constant 0 : i32
        %swap3A_209 = tpu.memref_slice %arg8[%add3A_182, %swap3A_208] : memref<200x64xf32, #tpu.memory_space<vmem>> -> memref<1x64xf32, #tpu.memory_space<vmem>>
        %swap3A_210 = tpu.memref_squeeze %swap3A_209 : memref<1x64xf32, #tpu.memory_space<vmem>> -> memref<64xf32, #tpu.memory_space<vmem>>
        %swap3A_211 = arith.constant 16 : index
        %swap3A_212 = tpu.vector_load %swap3A_210[%swap3A_211] {strides = array<i32>} : memref<64xf32, #tpu.memory_space<vmem>>, vector<16xf32>,
        %swap3A_213 = vector.shape_cast %swap3A_212 : vector<16xf32> to vector<16xf32>
        %swap3A_214 = vector.shape_cast %mul3A_207 : vector<16xf32> to vector<16xf32>
        tpu.vector_store %swap3A_210[%swap3A_211], %swap3A_214 {strides = array<i32>} : memref<64xf32, #tpu.memory_space<vmem>>, vector<16xf32>,
        %get3A_215 = arith.constant 0 : i32
        %get3A_216 = tpu.memref_slice %arg6[%add3A_180, %get3A_215] : memref<200x64xf32, #tpu.memory_space<vmem>> -> memref<1x64xf32, #tpu.memory_space<vmem>>
        %get3A_217 = tpu.memref_squeeze %get3A_216 : memref<1x64xf32, #tpu.memory_space<vmem>> -> memref<64xf32, #tpu.memory_space<vmem>>
        %get3A_218 = arith.constant 32 : index
        %get3A_219 = tpu.vector_load %get3A_217[%get3A_218] {strides = array<i32>} : memref<64xf32, #tpu.memory_space<vmem>>, vector<16xf32>,
        %get3A_220 = vector.shape_cast %get3A_219 : vector<16xf32> to vector<16xf32>
        %mul3A_221 = arith.constant 1.250000e-01 : f32
        %mul3A_222 = vector.broadcast %mul3A_221 : f32 to vector<16xf32>
        %mul3A_223 = arith.mulf %get3A_220, %mul3A_222 : vector<16xf32>
        %swap3A_224 = arith.constant 0 : i32
        %swap3A_225 = tpu.memref_slice %arg8[%add3A_182, %swap3A_224] : memref<200x64xf32, #tpu.memory_space<vmem>> -> memref<1x64xf32, #tpu.memory_space<vmem>>
        %swap3A_226 = tpu.memref_squeeze %swap3A_225 : memref<1x64xf32, #tpu.memory_space<vmem>> -> memref<64xf32, #tpu.memory_space<vmem>>
        %swap3A_227 = arith.constant 32 : index
        %swap3A_228 = tpu.vector_load %swap3A_226[%swap3A_227] {strides = array<i32>} : memref<64xf32, #tpu.memory_space<vmem>>, vector<16xf32>,
        %swap3A_229 = vector.shape_cast %swap3A_228 : vector<16xf32> to vector<16xf32>
        %swap3A_230 = vector.shape_cast %mul3A_223 : vector<16xf32> to vector<16xf32>
        tpu.vector_store %swap3A_226[%swap3A_227], %swap3A_230 {strides = array<i32>} : memref<64xf32, #tpu.memory_space<vmem>>, vector<16xf32>,
        %get3A_231 = arith.constant 0 : i32
        %get3A_232 = tpu.memref_slice %arg6[%add3A_180, %get3A_231] : memref<200x64xf32, #tpu.memory_space<vmem>> -> memref<1x64xf32, #tpu.memory_space<vmem>>
        %get3A_233 = tpu.memref_squeeze %get3A_232 : memref<1x64xf32, #tpu.memory_space<vmem>> -> memref<64xf32, #tpu.memory_space<vmem>>
        %get3A_234 = arith.constant 48 : index
        %get3A_235 = tpu.vector_load %get3A_233[%get3A_234] {strides = array<i32>} : memref<64xf32, #tpu.memory_space<vmem>>, vector<16xf32>,
        %get3A_236 = vector.shape_cast %get3A_235 : vector<16xf32> to vector<16xf32>
        %mul3A_237 = arith.constant 1.250000e-01 : f32
        %mul3A_238 = vector.broadcast %mul3A_237 : f32 to vector<16xf32>
        %mul3A_239 = arith.mulf %get3A_236, %mul3A_238 : vector<16xf32>
        %swap3A_240 = arith.constant 0 : i32
        %swap3A_241 = tpu.memref_slice %arg8[%add3A_182, %swap3A_240] : memref<200x64xf32, #tpu.memory_space<vmem>> -> memref<1x64xf32, #tpu.memory_space<vmem>>
        %swap3A_242 = tpu.memref_squeeze %swap3A_241 : memref<1x64xf32, #tpu.memory_space<vmem>> -> memref<64xf32, #tpu.memory_space<vmem>>
        %swap3A_243 = arith.constant 48 : index
        %swap3A_244 = tpu.vector_load %swap3A_242[%swap3A_243] {strides = array<i32>} : memref<64xf32, #tpu.memory_space<vmem>>, vector<16xf32>,
        %swap3A_245 = vector.shape_cast %swap3A_244 : vector<16xf32> to vector<16xf32>
        %swap3A_246 = vector.shape_cast %mul3A_239 : vector<16xf32> to vector<16xf32>
        tpu.vector_store %swap3A_242[%swap3A_243], %swap3A_246 {strides = array<i32>} : memref<64xf32, #tpu.memory_space<vmem>>, vector<16xf32>,
        %add3A_247 = arith.constant 2 : i32
        %add3A_248 = arith.addi %add3A_112, %add3A_247 : i32
        %add3A_249 = arith.constant 2 : i32
        %add3A_250 = arith.addi %add3A_112, %add3A_249 : i32
        %get3A_251 = arith.constant 0 : i32
        %get3A_252 = tpu.memref_slice %arg6[%add3A_248, %get3A_251] : memref<200x64xf32, #tpu.memory_space<vmem>> -> memref<1x64xf32, #tpu.memory_space<vmem>>
        %get3A_253 = tpu.memref_squeeze %get3A_252 : memref<1x64xf32, #tpu.memory_space<vmem>> -> memref<64xf32, #tpu.memory_space<vmem>>
        %get3A_254 = arith.constant 0 : index
        %get3A_255 = tpu.vector_load %get3A_253[%get3A_254] {strides = array<i32>} : memref<64xf32, #tpu.memory_space<vmem>>, vector<16xf32>,
        %get3A_256 = vector.shape_cast %get3A_255 : vector<16xf32> to vector<16xf32>
        %mul3A_257 = arith.constant 1.250000e-01 : f32
        %mul3A_258 = vector.broadcast %mul3A_257 : f32 to vector<16xf32>
        %mul3A_259 = arith.mulf %get3A_256, %mul3A_258 : vector<16xf32>
        %swap3A_260 = arith.constant 0 : i32
        %swap3A_261 = tpu.memref_slice %arg8[%add3A_250, %swap3A_260] : memref<200x64xf32, #tpu.memory_space<vmem>> -> memref<1x64xf32, #tpu.memory_space<vmem>>
        %swap3A_262 = tpu.memref_squeeze %swap3A_261 : memref<1x64xf32, #tpu.memory_space<vmem>> -> memref<64xf32, #tpu.memory_space<vmem>>
        %swap3A_263 = arith.constant 0 : index
        %swap3A_264 = tpu.vector_load %swap3A_262[%swap3A_263] {strides = array<i32>} : memref<64xf32, #tpu.memory_space<vmem>>, vector<16xf32>,
        %swap3A_265 = vector.shape_cast %swap3A_264 : vector<16xf32> to vector<16xf32>
        %swap3A_266 = vector.shape_cast %mul3A_259 : vector<16xf32> to vector<16xf32>
        tpu.vector_store %swap3A_262[%swap3A_263], %swap3A_266 {strides = array<i32>} : memref<64xf32, #tpu.memory_space<vmem>>, vector<16xf32>,
        %get3A_267 = arith.constant 0 : i32
        %get3A_268 = tpu.memref_slice %arg6[%add3A_248, %get3A_267] : memref<200x64xf32, #tpu.memory_space<vmem>> -> memref<1x64xf32, #tpu.memory_space<vmem>>
        %get3A_269 = tpu.memref_squeeze %get3A_268 : memref<1x64xf32, #tpu.memory_space<vmem>> -> memref<64xf32, #tpu.memory_space<vmem>>
        %get3A_270 = arith.constant 16 : index
        %get3A_271 = tpu.vector_load %get3A_269[%get3A_270] {strides = array<i32>} : memref<64xf32, #tpu.memory_space<vmem>>, vector<16xf32>,
        %get3A_272 = vector.shape_cast %get3A_271 : vector<16xf32> to vector<16xf32>
        %mul3A_273 = arith.constant 1.250000e-01 : f32
        %mul3A_274 = vector.broadcast %mul3A_273 : f32 to vector<16xf32>
        %mul3A_275 = arith.mulf %get3A_272, %mul3A_274 : vector<16xf32>
        %swap3A_276 = arith.constant 0 : i32
        %swap3A_277 = tpu.memref_slice %arg8[%add3A_250, %swap3A_276] : memref<200x64xf32, #tpu.memory_space<vmem>> -> memref<1x64xf32, #tpu.memory_space<vmem>>
        %swap3A_278 = tpu.memref_squeeze %swap3A_277 : memref<1x64xf32, #tpu.memory_space<vmem>> -> memref<64xf32, #tpu.memory_space<vmem>>
        %swap3A_279 = arith.constant 16 : index
        %swap3A_280 = tpu.vector_load %swap3A_278[%swap3A_279] {strides = array<i32>} : memref<64xf32, #tpu.memory_space<vmem>>, vector<16xf32>,
        %swap3A_281 = vector.shape_cast %swap3A_280 : vector<16xf32> to vector<16xf32>
        %swap3A_282 = vector.shape_cast %mul3A_275 : vector<16xf32> to vector<16xf32>
        tpu.vector_store %swap3A_278[%swap3A_279], %swap3A_282 {strides = array<i32>} : memref<64xf32, #tpu.memory_space<vmem>>, vector<16xf32>,
        %get3A_283 = arith.constant 0 : i32
        %get3A_284 = tpu.memref_slice %arg6[%add3A_248, %get3A_283] : memref<200x64xf32, #tpu.memory_space<vmem>> -> memref<1x64xf32, #tpu.memory_space<vmem>>
        %get3A_285 = tpu.memref_squeeze %get3A_284 : memref<1x64xf32, #tpu.memory_space<vmem>> -> memref<64xf32, #tpu.memory_space<vmem>>
        %get3A_286 = arith.constant 32 : index
        %get3A_287 = tpu.vector_load %get3A_285[%get3A_286] {strides = array<i32>} : memref<64xf32, #tpu.memory_space<vmem>>, vector<16xf32>,
        %get3A_288 = vector.shape_cast %get3A_287 : vector<16xf32> to vector<16xf32>
        %mul3A_289 = arith.constant 1.250000e-01 : f32
        %mul3A_290 = vector.broadcast %mul3A_289 : f32 to vector<16xf32>
        %mul3A_291 = arith.mulf %get3A_288, %mul3A_290 : vector<16xf32>
        %swap3A_292 = arith.constant 0 : i32
        %swap3A_293 = tpu.memref_slice %arg8[%add3A_250, %swap3A_292] : memref<200x64xf32, #tpu.memory_space<vmem>> -> memref<1x64xf32, #tpu.memory_space<vmem>>
        %swap3A_294 = tpu.memref_squeeze %swap3A_293 : memref<1x64xf32, #tpu.memory_space<vmem>> -> memref<64xf32, #tpu.memory_space<vmem>>
        %swap3A_295 = arith.constant 32 : index
        %swap3A_296 = tpu.vector_load %swap3A_294[%swap3A_295] {strides = array<i32>} : memref<64xf32, #tpu.memory_space<vmem>>, vector<16xf32>,
        %swap3A_297 = vector.shape_cast %swap3A_296 : vector<16xf32> to vector<16xf32>
        %swap3A_298 = vector.shape_cast %mul3A_291 : vector<16xf32> to vector<16xf32>
        tpu.vector_store %swap3A_294[%swap3A_295], %swap3A_298 {strides = array<i32>} : memref<64xf32, #tpu.memory_space<vmem>>, vector<16xf32>,
        %get3A_299 = arith.constant 0 : i32
        %get3A_300 = tpu.memref_slice %arg6[%add3A_248, %get3A_299] : memref<200x64xf32, #tpu.memory_space<vmem>> -> memref<1x64xf32, #tpu.memory_space<vmem>>
        %get3A_301 = tpu.memref_squeeze %get3A_300 : memref<1x64xf32, #tpu.memory_space<vmem>> -> memref<64xf32, #tpu.memory_space<vmem>>
        %get3A_302 = arith.constant 48 : index
        %get3A_303 = tpu.vector_load %get3A_301[%get3A_302] {strides = array<i32>} : memref<64xf32, #tpu.memory_space<vmem>>, vector<16xf32>,
        %get3A_304 = vector.shape_cast %get3A_303 : vector<16xf32> to vector<16xf32>
        %mul3A_305 = arith.constant 1.250000e-01 : f32
        %mul3A_306 = vector.broadcast %mul3A_305 : f32 to vector<16xf32>
        %mul3A_307 = arith.mulf %get3A_304, %mul3A_306 : vector<16xf32>
        %swap3A_308 = arith.constant 0 : i32
        %swap3A_309 = tpu.memref_slice %arg8[%add3A_250, %swap3A_308] : memref<200x64xf32, #tpu.memory_space<vmem>> -> memref<1x64xf32, #tpu.memory_space<vmem>>
        %swap3A_310 = tpu.memref_squeeze %swap3A_309 : memref<1x64xf32, #tpu.memory_space<vmem>> -> memref<64xf32, #tpu.memory_space<vmem>>
        %swap3A_311 = arith.constant 48 : index
        %swap3A_312 = tpu.vector_load %swap3A_310[%swap3A_311] {strides = array<i32>} : memref<64xf32, #tpu.memory_space<vmem>>, vector<16xf32>,
        %swap3A_313 = vector.shape_cast %swap3A_312 : vector<16xf32> to vector<16xf32>
        %swap3A_314 = vector.shape_cast %mul3A_307 : vector<16xf32> to vector<16xf32>
        tpu.vector_store %swap3A_310[%swap3A_311], %swap3A_314 {strides = array<i32>} : memref<64xf32, #tpu.memory_space<vmem>>, vector<16xf32>,
        %add3A_315 = arith.constant 3 : i32
        %add3A_316 = arith.addi %add3A_112, %add3A_315 : i32
        %add3A_317 = arith.constant 3 : i32
        %add3A_318 = arith.addi %add3A_112, %add3A_317 : i32
        %get3A_319 = arith.constant 0 : i32
        %get3A_320 = tpu.memref_slice %arg6[%add3A_316, %get3A_319] : memref<200x64xf32, #tpu.memory_space<vmem>> -> memref<1x64xf32, #tpu.memory_space<vmem>>
        %get3A_321 = tpu.memref_squeeze %get3A_320 : memref<1x64xf32, #tpu.memory_space<vmem>> -> memref<64xf32, #tpu.memory_space<vmem>>
        %get3A_322 = arith.constant 0 : index
        %get3A_323 = tpu.vector_load %get3A_321[%get3A_322] {strides = array<i32>} : memref<64xf32, #tpu.memory_space<vmem>>, vector<16xf32>,
        %get3A_324 = vector.shape_cast %get3A_323 : vector<16xf32> to vector<16xf32>
        %mul3A_325 = arith.constant 1.250000e-01 : f32
        %mul3A_326 = vector.broadcast %mul3A_325 : f32 to vector<16xf32>
        %mul3A_327 = arith.mulf %get3A_324, %mul3A_326 : vector<16xf32>
        %swap3A_328 = arith.constant 0 : i32
        %swap3A_329 = tpu.memref_slice %arg8[%add3A_318, %swap3A_328] : memref<200x64xf32, #tpu.memory_space<vmem>> -> memref<1x64xf32, #tpu.memory_space<vmem>>
        %swap3A_330 = tpu.memref_squeeze %swap3A_329 : memref<1x64xf32, #tpu.memory_space<vmem>> -> memref<64xf32, #tpu.memory_space<vmem>>
        %swap3A_331 = arith.constant 0 : index
        %swap3A_332 = tpu.vector_load %swap3A_330[%swap3A_331] {strides = array<i32>} : memref<64xf32, #tpu.memory_space<vmem>>, vector<16xf32>,
        %swap3A_333 = vector.shape_cast %swap3A_332 : vector<16xf32> to vector<16xf32>
        %swap3A_334 = vector.shape_cast %mul3A_327 : vector<16xf32> to vector<16xf32>
        tpu.vector_store %swap3A_330[%swap3A_331], %swap3A_334 {strides = array<i32>} : memref<64xf32, #tpu.memory_space<vmem>>, vector<16xf32>,
        %get3A_335 = arith.constant 0 : i32
        %get3A_336 = tpu.memref_slice %arg6[%add3A_316, %get3A_335] : memref<200x64xf32, #tpu.memory_space<vmem>> -> memref<1x64xf32, #tpu.memory_space<vmem>>
        %get3A_337 = tpu.memref_squeeze %get3A_336 : memref<1x64xf32, #tpu.memory_space<vmem>> -> memref<64xf32, #tpu.memory_space<vmem>>
        %get3A_338 = arith.constant 16 : index
        %get3A_339 = tpu.vector_load %get3A_337[%get3A_338] {strides = array<i32>} : memref<64xf32, #tpu.memory_space<vmem>>, vector<16xf32>,
        %get3A_340 = vector.shape_cast %get3A_339 : vector<16xf32> to vector<16xf32>
        %mul3A_341 = arith.constant 1.250000e-01 : f32
        %mul3A_342 = vector.broadcast %mul3A_341 : f32 to vector<16xf32>
        %mul3A_343 = arith.mulf %get3A_340, %mul3A_342 : vector<16xf32>
        %swap3A_344 = arith.constant 0 : i32
        %swap3A_345 = tpu.memref_slice %arg8[%add3A_318, %swap3A_344] : memref<200x64xf32, #tpu.memory_space<vmem>> -> memref<1x64xf32, #tpu.memory_space<vmem>>
        %swap3A_346 = tpu.memref_squeeze %swap3A_345 : memref<1x64xf32, #tpu.memory_space<vmem>> -> memref<64xf32, #tpu.memory_space<vmem>>
        %swap3A_347 = arith.constant 16 : index
        %swap3A_348 = tpu.vector_load %swap3A_346[%swap3A_347] {strides = array<i32>} : memref<64xf32, #tpu.memory_space<vmem>>, vector<16xf32>,
        %swap3A_349 = vector.shape_cast %swap3A_348 : vector<16xf32> to vector<16xf32>
        %swap3A_350 = vector.shape_cast %mul3A_343 : vector<16xf32> to vector<16xf32>
        tpu.vector_store %swap3A_346[%swap3A_347], %swap3A_350 {strides = array<i32>} : memref<64xf32, #tpu.memory_space<vmem>>, vector<16xf32>,
        %get3A_351 = arith.constant 0 : i32
        %get3A_352 = tpu.memref_slice %arg6[%add3A_316, %get3A_351] : memref<200x64xf32, #tpu.memory_space<vmem>> -> memref<1x64xf32, #tpu.memory_space<vmem>>
        %get3A_353 = tpu.memref_squeeze %get3A_352 : memref<1x64xf32, #tpu.memory_space<vmem>> -> memref<64xf32, #tpu.memory_space<vmem>>
        %get3A_354 = arith.constant 32 : index
        %get3A_355 = tpu.vector_load %get3A_353[%get3A_354] {strides = array<i32>} : memref<64xf32, #tpu.memory_space<vmem>>, vector<16xf32>,
        %get3A_356 = vector.shape_cast %get3A_355 : vector<16xf32> to vector<16xf32>
        %mul3A_357 = arith.constant 1.250000e-01 : f32
        %mul3A_358 = vector.broadcast %mul3A_357 : f32 to vector<16xf32>
        %mul3A_359 = arith.mulf %get3A_356, %mul3A_358 : vector<16xf32>
        %swap3A_360 = arith.constant 0 : i32
        %swap3A_361 = tpu.memref_slice %arg8[%add3A_318, %swap3A_360] : memref<200x64xf32, #tpu.memory_space<vmem>> -> memref<1x64xf32, #tpu.memory_space<vmem>>
        %swap3A_362 = tpu.memref_squeeze %swap3A_361 : memref<1x64xf32, #tpu.memory_space<vmem>> -> memref<64xf32, #tpu.memory_space<vmem>>
        %swap3A_363 = arith.constant 32 : index
        %swap3A_364 = tpu.vector_load %swap3A_362[%swap3A_363] {strides = array<i32>} : memref<64xf32, #tpu.memory_space<vmem>>, vector<16xf32>,
        %swap3A_365 = vector.shape_cast %swap3A_364 : vector<16xf32> to vector<16xf32>
        %swap3A_366 = vector.shape_cast %mul3A_359 : vector<16xf32> to vector<16xf32>
        tpu.vector_store %swap3A_362[%swap3A_363], %swap3A_366 {strides = array<i32>} : memref<64xf32, #tpu.memory_space<vmem>>, vector<16xf32>,
        %get3A_367 = arith.constant 0 : i32
        %get3A_368 = tpu.memref_slice %arg6[%add3A_316, %get3A_367] : memref<200x64xf32, #tpu.memory_space<vmem>> -> memref<1x64xf32, #tpu.memory_space<vmem>>
        %get3A_369 = tpu.memref_squeeze %get3A_368 : memref<1x64xf32, #tpu.memory_space<vmem>> -> memref<64xf32, #tpu.memory_space<vmem>>
        %get3A_370 = arith.constant 48 : index
        %get3A_371 = tpu.vector_load %get3A_369[%get3A_370] {strides = array<i32>} : memref<64xf32, #tpu.memory_space<vmem>>, vector<16xf32>,
        %get3A_372 = vector.shape_cast %get3A_371 : vector<16xf32> to vector<16xf32>
        %mul3A_373 = arith.constant 1.250000e-01 : f32
        %mul3A_374 = vector.broadcast %mul3A_373 : f32 to vector<16xf32>
        %mul3A_375 = arith.mulf %get3A_372, %mul3A_374 : vector<16xf32>
        %swap3A_376 = arith.constant 0 : i32
        %swap3A_377 = tpu.memref_slice %arg8[%add3A_318, %swap3A_376] : memref<200x64xf32, #tpu.memory_space<vmem>> -> memref<1x64xf32, #tpu.memory_space<vmem>>
        %swap3A_378 = tpu.memref_squeeze %swap3A_377 : memref<1x64xf32, #tpu.memory_space<vmem>> -> memref<64xf32, #tpu.memory_space<vmem>>
        %swap3A_379 = arith.constant 48 : index
        %swap3A_380 = tpu.vector_load %swap3A_378[%swap3A_379] {strides = array<i32>} : memref<64xf32, #tpu.memory_space<vmem>>, vector<16xf32>,
        %swap3A_381 = vector.shape_cast %swap3A_380 : vector<16xf32> to vector<16xf32>
        %swap3A_382 = vector.shape_cast %mul3A_375 : vector<16xf32> to vector<16xf32>
        tpu.vector_store %swap3A_378[%swap3A_379], %swap3A_382 {strides = array<i32>} : memref<64xf32, #tpu.memory_space<vmem>>, vector<16xf32>,
        %add3A_383 = arith.constant 4 : i32
        %add3A_384 = arith.addi %add3A_112, %add3A_383 : i32
        %add3A_385 = arith.constant 4 : i32
        %add3A_386 = arith.addi %add3A_112, %add3A_385 : i32
        %get3A_387 = arith.constant 0 : i32
        %get3A_388 = tpu.memref_slice %arg6[%add3A_384, %get3A_387] : memref<200x64xf32, #tpu.memory_space<vmem>> -> memref<1x64xf32, #tpu.memory_space<vmem>>
        %get3A_389 = tpu.memref_squeeze %get3A_388 : memref<1x64xf32, #tpu.memory_space<vmem>> -> memref<64xf32, #tpu.memory_space<vmem>>
        %get3A_390 = arith.constant 0 : index
        %get3A_391 = tpu.vector_load %get3A_389[%get3A_390] {strides = array<i32>} : memref<64xf32, #tpu.memory_space<vmem>>, vector<16xf32>,
        %get3A_392 = vector.shape_cast %get3A_391 : vector<16xf32> to vector<16xf32>
        %mul3A_393 = arith.constant 1.250000e-01 : f32
        %mul3A_394 = vector.broadcast %mul3A_393 : f32 to vector<16xf32>
        %mul3A_395 = arith.mulf %get3A_392, %mul3A_394 : vector<16xf32>
        %swap3A_396 = arith.constant 0 : i32
        %swap3A_397 = tpu.memref_slice %arg8[%add3A_386, %swap3A_396] : memref<200x64xf32, #tpu.memory_space<vmem>> -> memref<1x64xf32, #tpu.memory_space<vmem>>
        %swap3A_398 = tpu.memref_squeeze %swap3A_397 : memref<1x64xf32, #tpu.memory_space<vmem>> -> memref<64xf32, #tpu.memory_space<vmem>>
        %swap3A_399 = arith.constant 0 : index
        %swap3A_400 = tpu.vector_load %swap3A_398[%swap3A_399] {strides = array<i32>} : memref<64xf32, #tpu.memory_space<vmem>>, vector<16xf32>,
        %swap3A_401 = vector.shape_cast %swap3A_400 : vector<16xf32> to vector<16xf32>
        %swap3A_402 = vector.shape_cast %mul3A_395 : vector<16xf32> to vector<16xf32>
        tpu.vector_store %swap3A_398[%swap3A_399], %swap3A_402 {strides = array<i32>} : memref<64xf32, #tpu.memory_space<vmem>>, vector<16xf32>,
        %get3A_403 = arith.constant 0 : i32
        %get3A_404 = tpu.memref_slice %arg6[%add3A_384, %get3A_403] : memref<200x64xf32, #tpu.memory_space<vmem>> -> memref<1x64xf32, #tpu.memory_space<vmem>>
        %get3A_405 = tpu.memref_squeeze %get3A_404 : memref<1x64xf32, #tpu.memory_space<vmem>> -> memref<64xf32, #tpu.memory_space<vmem>>
        %get3A_406 = arith.constant 16 : index
        %get3A_407 = tpu.vector_load %get3A_405[%get3A_406] {strides = array<i32>} : memref<64xf32, #tpu.memory_space<vmem>>, vector<16xf32>,
        %get3A_408 = vector.shape_cast %get3A_407 : vector<16xf32> to vector<16xf32>
        %mul3A_409 = arith.constant 1.250000e-01 : f32
        %mul3A_410 = vector.broadcast %mul3A_409 : f32 to vector<16xf32>
        %mul3A_411 = arith.mulf %get3A_408, %mul3A_410 : vector<16xf32>
        %swap3A_412 = arith.constant 0 : i32
        %swap3A_413 = tpu.memref_slice %arg8[%add3A_386, %swap3A_412] : memref<200x64xf32, #tpu.memory_space<vmem>> -> memref<1x64xf32, #tpu.memory_space<vmem>>
        %swap3A_414 = tpu.memref_squeeze %swap3A_413 : memref<1x64xf32, #tpu.memory_space<vmem>> -> memref<64xf32, #tpu.memory_space<vmem>>
        %swap3A_415 = arith.constant 16 : index
        %swap3A_416 = tpu.vector_load %swap3A_414[%swap3A_415] {strides = array<i32>} : memref<64xf32, #tpu.memory_space<vmem>>, vector<16xf32>,
        %swap3A_417 = vector.shape_cast %swap3A_416 : vector<16xf32> to vector<16xf32>
        %swap3A_418 = vector.shape_cast %mul3A_411 : vector<16xf32> to vector<16xf32>
        tpu.vector_store %swap3A_414[%swap3A_415], %swap3A_418 {strides = array<i32>} : memref<64xf32, #tpu.memory_space<vmem>>, vector<16xf32>,
        %get3A_419 = arith.constant 0 : i32
        %get3A_420 = tpu.memref_slice %arg6[%add3A_384, %get3A_419] : memref<200x64xf32, #tpu.memory_space<vmem>> -> memref<1x64xf32, #tpu.memory_space<vmem>>
        %get3A_421 = tpu.memref_squeeze %get3A_420 : memref<1x64xf32, #tpu.memory_space<vmem>> -> memref<64xf32, #tpu.memory_space<vmem>>
        %get3A_422 = arith.constant 32 : index
        %get3A_423 = tpu.vector_load %get3A_421[%get3A_422] {strides = array<i32>} : memref<64xf32, #tpu.memory_space<vmem>>, vector<16xf32>,
        %get3A_424 = vector.shape_cast %get3A_423 : vector<16xf32> to vector<16xf32>
        %mul3A_425 = arith.constant 1.250000e-01 : f32
        %mul3A_426 = vector.broadcast %mul3A_425 : f32 to vector<16xf32>
        %mul3A_427 = arith.mulf %get3A_424, %mul3A_426 : vector<16xf32>
        %swap3A_428 = arith.constant 0 : i32
        %swap3A_429 = tpu.memref_slice %arg8[%add3A_386, %swap3A_428] : memref<200x64xf32, #tpu.memory_space<vmem>> -> memref<1x64xf32, #tpu.memory_space<vmem>>
        %swap3A_430 = tpu.memref_squeeze %swap3A_429 : memref<1x64xf32, #tpu.memory_space<vmem>> -> memref<64xf32, #tpu.memory_space<vmem>>
        %swap3A_431 = arith.constant 32 : index
        %swap3A_432 = tpu.vector_load %swap3A_430[%swap3A_431] {strides = array<i32>} : memref<64xf32, #tpu.memory_space<vmem>>, vector<16xf32>,
        %swap3A_433 = vector.shape_cast %swap3A_432 : vector<16xf32> to vector<16xf32>
        %swap3A_434 = vector.shape_cast %mul3A_427 : vector<16xf32> to vector<16xf32>
        tpu.vector_store %swap3A_430[%swap3A_431], %swap3A_434 {strides = array<i32>} : memref<64xf32, #tpu.memory_space<vmem>>, vector<16xf32>,
        %get3A_435 = arith.constant 0 : i32
        %get3A_436 = tpu.memref_slice %arg6[%add3A_384, %get3A_435] : memref<200x64xf32, #tpu.memory_space<vmem>> -> memref<1x64xf32, #tpu.memory_space<vmem>>
        %get3A_437 = tpu.memref_squeeze %get3A_436 : memref<1x64xf32, #tpu.memory_space<vmem>> -> memref<64xf32, #tpu.memory_space<vmem>>
        %get3A_438 = arith.constant 48 : index
        %get3A_439 = tpu.vector_load %get3A_437[%get3A_438] {strides = array<i32>} : memref<64xf32, #tpu.memory_space<vmem>>, vector<16xf32>,
        %get3A_440 = vector.shape_cast %get3A_439 : vector<16xf32> to vector<16xf32>
        %mul3A_441 = arith.constant 1.250000e-01 : f32
        %mul3A_442 = vector.broadcast %mul3A_441 : f32 to vector<16xf32>
        %mul3A_443 = arith.mulf %get3A_440, %mul3A_442 : vector<16xf32>
        %swap3A_444 = arith.constant 0 : i32
        %swap3A_445 = tpu.memref_slice %arg8[%add3A_386, %swap3A_444] : memref<200x64xf32, #tpu.memory_space<vmem>> -> memref<1x64xf32, #tpu.memory_space<vmem>>
        %swap3A_446 = tpu.memref_squeeze %swap3A_445 : memref<1x64xf32, #tpu.memory_space<vmem>> -> memref<64xf32, #tpu.memory_space<vmem>>
        %swap3A_447 = arith.constant 48 : index
        %swap3A_448 = tpu.vector_load %swap3A_446[%swap3A_447] {strides = array<i32>} : memref<64xf32, #tpu.memory_space<vmem>>, vector<16xf32>,
        %swap3A_449 = vector.shape_cast %swap3A_448 : vector<16xf32> to vector<16xf32>
        %swap3A_450 = vector.shape_cast %mul3A_443 : vector<16xf32> to vector<16xf32>
        tpu.vector_store %swap3A_446[%swap3A_447], %swap3A_450 {strides = array<i32>} : memref<64xf32, #tpu.memory_space<vmem>>, vector<16xf32>,
        %add3A_451 = arith.constant 5 : i32
        %add3A_452 = arith.addi %add3A_112, %add3A_451 : i32
        %add3A_453 = arith.constant 5 : i32
        %add3A_454 = arith.addi %add3A_112, %add3A_453 : i32
        %get3A_455 = arith.constant 0 : i32
        %get3A_456 = tpu.memref_slice %arg6[%add3A_452, %get3A_455] : memref<200x64xf32, #tpu.memory_space<vmem>> -> memref<1x64xf32, #tpu.memory_space<vmem>>
        %get3A_457 = tpu.memref_squeeze %get3A_456 : memref<1x64xf32, #tpu.memory_space<vmem>> -> memref<64xf32, #tpu.memory_space<vmem>>
        %get3A_458 = arith.constant 0 : index
        %get3A_459 = tpu.vector_load %get3A_457[%get3A_458] {strides = array<i32>} : memref<64xf32, #tpu.memory_space<vmem>>, vector<16xf32>,
        %get3A_460 = vector.shape_cast %get3A_459 : vector<16xf32> to vector<16xf32>
        %mul3A_461 = arith.constant 1.250000e-01 : f32
        %mul3A_462 = vector.broadcast %mul3A_461 : f32 to vector<16xf32>
        %mul3A_463 = arith.mulf %get3A_460, %mul3A_462 : vector<16xf32>
        %swap3A_464 = arith.constant 0 : i32
        %swap3A_465 = tpu.memref_slice %arg8[%add3A_454, %swap3A_464] : memref<200x64xf32, #tpu.memory_space<vmem>> -> memref<1x64xf32, #tpu.memory_space<vmem>>
        %swap3A_466 = tpu.memref_squeeze %swap3A_465 : memref<1x64xf32, #tpu.memory_space<vmem>> -> memref<64xf32, #tpu.memory_space<vmem>>
        %swap3A_467 = arith.constant 0 : index
        %swap3A_468 = tpu.vector_load %swap3A_466[%swap3A_467] {strides = array<i32>} : memref<64xf32, #tpu.memory_space<vmem>>, vector<16xf32>,
        %swap3A_469 = vector.shape_cast %swap3A_468 : vector<16xf32> to vector<16xf32>
        %swap3A_470 = vector.shape_cast %mul3A_463 : vector<16xf32> to vector<16xf32>
        tpu.vector_store %swap3A_466[%swap3A_467], %swap3A_470 {strides = array<i32>} : memref<64xf32, #tpu.memory_space<vmem>>, vector<16xf32>,
        %get3A_471 = arith.constant 0 : i32
        %get3A_472 = tpu.memref_slice %arg6[%add3A_452, %get3A_471] : memref<200x64xf32, #tpu.memory_space<vmem>> -> memref<1x64xf32, #tpu.memory_space<vmem>>
        %get3A_473 = tpu.memref_squeeze %get3A_472 : memref<1x64xf32, #tpu.memory_space<vmem>> -> memref<64xf32, #tpu.memory_space<vmem>>
        %get3A_474 = arith.constant 16 : index
        %get3A_475 = tpu.vector_load %get3A_473[%get3A_474] {strides = array<i32>} : memref<64xf32, #tpu.memory_space<vmem>>, vector<16xf32>,
        %get3A_476 = vector.shape_cast %get3A_475 : vector<16xf32> to vector<16xf32>
        %mul3A_477 = arith.constant 1.250000e-01 : f32
        %mul3A_478 = vector.broadcast %mul3A_477 : f32 to vector<16xf32>
        %mul3A_479 = arith.mulf %get3A_476, %mul3A_478 : vector<16xf32>
        %swap3A_480 = arith.constant 0 : i32
        %swap3A_481 = tpu.memref_slice %arg8[%add3A_454, %swap3A_480] : memref<200x64xf32, #tpu.memory_space<vmem>> -> memref<1x64xf32, #tpu.memory_space<vmem>>
        %swap3A_482 = tpu.memref_squeeze %swap3A_481 : memref<1x64xf32, #tpu.memory_space<vmem>> -> memref<64xf32, #tpu.memory_space<vmem>>
        %swap3A_483 = arith.constant 16 : index
        %swap3A_484 = tpu.vector_load %swap3A_482[%swap3A_483] {strides = array<i32>} : memref<64xf32, #tpu.memory_space<vmem>>, vector<16xf32>,
        %swap3A_485 = vector.shape_cast %swap3A_484 : vector<16xf32> to vector<16xf32>
        %swap3A_486 = vector.shape_cast %mul3A_479 : vector<16xf32> to vector<16xf32>
        tpu.vector_store %swap3A_482[%swap3A_483], %swap3A_486 {strides = array<i32>} : memref<64xf32, #tpu.memory_space<vmem>>, vector<16xf32>,
        %get3A_487 = arith.constant 0 : i32
        %get3A_488 = tpu.memref_slice %arg6[%add3A_452, %get3A_487] : memref<200x64xf32, #tpu.memory_space<vmem>> -> memref<1x64xf32, #tpu.memory_space<vmem>>
        %get3A_489 = tpu.memref_squeeze %get3A_488 : memref<1x64xf32, #tpu.memory_space<vmem>> -> memref<64xf32, #tpu.memory_space<vmem>>
        %get3A_490 = arith.constant 32 : index
        %get3A_491 = tpu.vector_load %get3A_489[%get3A_490] {strides = array<i32>} : memref<64xf32, #tpu.memory_space<vmem>>, vector<16xf32>,
        %get3A_492 = vector.shape_cast %get3A_491 : vector<16xf32> to vector<16xf32>
        %mul3A_493 = arith.constant 1.250000e-01 : f32
        %mul3A_494 = vector.broadcast %mul3A_493 : f32 to vector<16xf32>
        %mul3A_495 = arith.mulf %get3A_492, %mul3A_494 : vector<16xf32>
        %swap3A_496 = arith.constant 0 : i32
        %swap3A_497 = tpu.memref_slice %arg8[%add3A_454, %swap3A_496] : memref<200x64xf32, #tpu.memory_space<vmem>> -> memref<1x64xf32, #tpu.memory_space<vmem>>
        %swap3A_498 = tpu.memref_squeeze %swap3A_497 : memref<1x64xf32, #tpu.memory_space<vmem>> -> memref<64xf32, #tpu.memory_space<vmem>>
        %swap3A_499 = arith.constant 32 : index
        %swap3A_500 = tpu.vector_load %swap3A_498[%swap3A_499] {strides = array<i32>} : memref<64xf32, #tpu.memory_space<vmem>>, vector<16xf32>,
        %swap3A_501 = vector.shape_cast %swap3A_500 : vector<16xf32> to vector<16xf32>
        %swap3A_502 = vector.shape_cast %mul3A_495 : vector<16xf32> to vector<16xf32>
        tpu.vector_store %swap3A_498[%swap3A_499], %swap3A_502 {strides = array<i32>} : memref<64xf32, #tpu.memory_space<vmem>>, vector<16xf32>,
        %get3A_503 = arith.constant 0 : i32
        %get3A_504 = tpu.memref_slice %arg6[%add3A_452, %get3A_503] : memref<200x64xf32, #tpu.memory_space<vmem>> -> memref<1x64xf32, #tpu.memory_space<vmem>>
        %get3A_505 = tpu.memref_squeeze %get3A_504 : memref<1x64xf32, #tpu.memory_space<vmem>> -> memref<64xf32, #tpu.memory_space<vmem>>
        %get3A_506 = arith.constant 48 : index
        %get3A_507 = tpu.vector_load %get3A_505[%get3A_506] {strides = array<i32>} : memref<64xf32, #tpu.memory_space<vmem>>, vector<16xf32>,
        %get3A_508 = vector.shape_cast %get3A_507 : vector<16xf32> to vector<16xf32>
        %mul3A_509 = arith.constant 1.250000e-01 : f32
        %mul3A_510 = vector.broadcast %mul3A_509 : f32 to vector<16xf32>
        %mul3A_511 = arith.mulf %get3A_508, %mul3A_510 : vector<16xf32>
        %swap3A_512 = arith.constant 0 : i32
        %swap3A_513 = tpu.memref_slice %arg8[%add3A_454, %swap3A_512] : memref<200x64xf32, #tpu.memory_space<vmem>> -> memref<1x64xf32, #tpu.memory_space<vmem>>
        %swap3A_514 = tpu.memref_squeeze %swap3A_513 : memref<1x64xf32, #tpu.memory_space<vmem>> -> memref<64xf32, #tpu.memory_space<vmem>>
        %swap3A_515 = arith.constant 48 : index
        %swap3A_516 = tpu.vector_load %swap3A_514[%swap3A_515] {strides = array<i32>} : memref<64xf32, #tpu.memory_space<vmem>>, vector<16xf32>,
        %swap3A_517 = vector.shape_cast %swap3A_516 : vector<16xf32> to vector<16xf32>
        %swap3A_518 = vector.shape_cast %mul3A_511 : vector<16xf32> to vector<16xf32>
        tpu.vector_store %swap3A_514[%swap3A_515], %swap3A_518 {strides = array<i32>} : memref<64xf32, #tpu.memory_space<vmem>>, vector<16xf32>,
        %add3A_519 = arith.constant 6 : i32
        %add3A_520 = arith.addi %add3A_112, %add3A_519 : i32
        %add3A_521 = arith.constant 6 : i32
        %add3A_522 = arith.addi %add3A_112, %add3A_521 : i32
        %get3A_523 = arith.constant 0 : i32
        %get3A_524 = tpu.memref_slice %arg6[%add3A_520, %get3A_523] : memref<200x64xf32, #tpu.memory_space<vmem>> -> memref<1x64xf32, #tpu.memory_space<vmem>>
        %get3A_525 = tpu.memref_squeeze %get3A_524 : memref<1x64xf32, #tpu.memory_space<vmem>> -> memref<64xf32, #tpu.memory_space<vmem>>
        %get3A_526 = arith.constant 0 : index
        %get3A_527 = tpu.vector_load %get3A_525[%get3A_526] {strides = array<i32>} : memref<64xf32, #tpu.memory_space<vmem>>, vector<16xf32>,
        %get3A_528 = vector.shape_cast %get3A_527 : vector<16xf32> to vector<16xf32>
        %mul3A_529 = arith.constant 1.250000e-01 : f32
        %mul3A_530 = vector.broadcast %mul3A_529 : f32 to vector<16xf32>
        %mul3A_531 = arith.mulf %get3A_528, %mul3A_530 : vector<16xf32>
        %swap3A_532 = arith.constant 0 : i32
        %swap3A_533 = tpu.memref_slice %arg8[%add3A_522, %swap3A_532] : memref<200x64xf32, #tpu.memory_space<vmem>> -> memref<1x64xf32, #tpu.memory_space<vmem>>
        %swap3A_534 = tpu.memref_squeeze %swap3A_533 : memref<1x64xf32, #tpu.memory_space<vmem>> -> memref<64xf32, #tpu.memory_space<vmem>>
        %swap3A_535 = arith.constant 0 : index
        %swap3A_536 = tpu.vector_load %swap3A_534[%swap3A_535] {strides = array<i32>} : memref<64xf32, #tpu.memory_space<vmem>>, vector<16xf32>,
        %swap3A_537 = vector.shape_cast %swap3A_536 : vector<16xf32> to vector<16xf32>
        %swap3A_538 = vector.shape_cast %mul3A_531 : vector<16xf32> to vector<16xf32>
        tpu.vector_store %swap3A_534[%swap3A_535], %swap3A_538 {strides = array<i32>} : memref<64xf32, #tpu.memory_space<vmem>>, vector<16xf32>,
        %get3A_539 = arith.constant 0 : i32
        %get3A_540 = tpu.memref_slice %arg6[%add3A_520, %get3A_539] : memref<200x64xf32, #tpu.memory_space<vmem>> -> memref<1x64xf32, #tpu.memory_space<vmem>>
        %get3A_541 = tpu.memref_squeeze %get3A_540 : memref<1x64xf32, #tpu.memory_space<vmem>> -> memref<64xf32, #tpu.memory_space<vmem>>
        %get3A_542 = arith.constant 16 : index
        %get3A_543 = tpu.vector_load %get3A_541[%get3A_542] {strides = array<i32>} : memref<64xf32, #tpu.memory_space<vmem>>, vector<16xf32>,
        %get3A_544 = vector.shape_cast %get3A_543 : vector<16xf32> to vector<16xf32>
        %mul3A_545 = arith.constant 1.250000e-01 : f32
        %mul3A_546 = vector.broadcast %mul3A_545 : f32 to vector<16xf32>
        %mul3A_547 = arith.mulf %get3A_544, %mul3A_546 : vector<16xf32>
        %swap3A_548 = arith.constant 0 : i32
        %swap3A_549 = tpu.memref_slice %arg8[%add3A_522, %swap3A_548] : memref<200x64xf32, #tpu.memory_space<vmem>> -> memref<1x64xf32, #tpu.memory_space<vmem>>
        %swap3A_550 = tpu.memref_squeeze %swap3A_549 : memref<1x64xf32, #tpu.memory_space<vmem>> -> memref<64xf32, #tpu.memory_space<vmem>>
        %swap3A_551 = arith.constant 16 : index
        %swap3A_552 = tpu.vector_load %swap3A_550[%swap3A_551] {strides = array<i32>} : memref<64xf32, #tpu.memory_space<vmem>>, vector<16xf32>,
        %swap3A_553 = vector.shape_cast %swap3A_552 : vector<16xf32> to vector<16xf32>
        %swap3A_554 = vector.shape_cast %mul3A_547 : vector<16xf32> to vector<16xf32>
        tpu.vector_store %swap3A_550[%swap3A_551], %swap3A_554 {strides = array<i32>} : memref<64xf32, #tpu.memory_space<vmem>>, vector<16xf32>,
        %get3A_555 = arith.constant 0 : i32
        %get3A_556 = tpu.memref_slice %arg6[%add3A_520, %get3A_555] : memref<200x64xf32, #tpu.memory_space<vmem>> -> memref<1x64xf32, #tpu.memory_space<vmem>>
        %get3A_557 = tpu.memref_squeeze %get3A_556 : memref<1x64xf32, #tpu.memory_space<vmem>> -> memref<64xf32, #tpu.memory_space<vmem>>
        %get3A_558 = arith.constant 32 : index
        %get3A_559 = tpu.vector_load %get3A_557[%get3A_558] {strides = array<i32>} : memref<64xf32, #tpu.memory_space<vmem>>, vector<16xf32>,
        %get3A_560 = vector.shape_cast %get3A_559 : vector<16xf32> to vector<16xf32>
        %mul3A_561 = arith.constant 1.250000e-01 : f32
        %mul3A_562 = vector.broadcast %mul3A_561 : f32 to vector<16xf32>
        %mul3A_563 = arith.mulf %get3A_560, %mul3A_562 : vector<16xf32>
        %swap3A_564 = arith.constant 0 : i32
        %swap3A_565 = tpu.memref_slice %arg8[%add3A_522, %swap3A_564] : memref<200x64xf32, #tpu.memory_space<vmem>> -> memref<1x64xf32, #tpu.memory_space<vmem>>
        %swap3A_566 = tpu.memref_squeeze %swap3A_565 : memref<1x64xf32, #tpu.memory_space<vmem>> -> memref<64xf32, #tpu.memory_space<vmem>>
        %swap3A_567 = arith.constant 32 : index
        %swap3A_568 = tpu.vector_load %swap3A_566[%swap3A_567] {strides = array<i32>} : memref<64xf32, #tpu.memory_space<vmem>>, vector<16xf32>,
        %swap3A_569 = vector.shape_cast %swap3A_568 : vector<16xf32> to vector<16xf32>
        %swap3A_570 = vector.shape_cast %mul3A_563 : vector<16xf32> to vector<16xf32>
        tpu.vector_store %swap3A_566[%swap3A_567], %swap3A_570 {strides = array<i32>} : memref<64xf32, #tpu.memory_space<vmem>>, vector<16xf32>,
        %get3A_571 = arith.constant 0 : i32
        %get3A_572 = tpu.memref_slice %arg6[%add3A_520, %get3A_571] : memref<200x64xf32, #tpu.memory_space<vmem>> -> memref<1x64xf32, #tpu.memory_space<vmem>>
        %get3A_573 = tpu.memref_squeeze %get3A_572 : memref<1x64xf32, #tpu.memory_space<vmem>> -> memref<64xf32, #tpu.memory_space<vmem>>
        %get3A_574 = arith.constant 48 : index
        %get3A_575 = tpu.vector_load %get3A_573[%get3A_574] {strides = array<i32>} : memref<64xf32, #tpu.memory_space<vmem>>, vector<16xf32>,
        %get3A_576 = vector.shape_cast %get3A_575 : vector<16xf32> to vector<16xf32>
        %mul3A_577 = arith.constant 1.250000e-01 : f32
        %mul3A_578 = vector.broadcast %mul3A_577 : f32 to vector<16xf32>
        %mul3A_579 = arith.mulf %get3A_576, %mul3A_578 : vector<16xf32>
        %swap3A_580 = arith.constant 0 : i32
        %swap3A_581 = tpu.memref_slice %arg8[%add3A_522, %swap3A_580] : memref<200x64xf32, #tpu.memory_space<vmem>> -> memref<1x64xf32, #tpu.memory_space<vmem>>
        %swap3A_582 = tpu.memref_squeeze %swap3A_581 : memref<1x64xf32, #tpu.memory_space<vmem>> -> memref<64xf32, #tpu.memory_space<vmem>>
        %swap3A_583 = arith.constant 48 : index
        %swap3A_584 = tpu.vector_load %swap3A_582[%swap3A_583] {strides = array<i32>} : memref<64xf32, #tpu.memory_space<vmem>>, vector<16xf32>,
        %swap3A_585 = vector.shape_cast %swap3A_584 : vector<16xf32> to vector<16xf32>
        %swap3A_586 = vector.shape_cast %mul3A_579 : vector<16xf32> to vector<16xf32>
        tpu.vector_store %swap3A_582[%swap3A_583], %swap3A_586 {strides = array<i32>} : memref<64xf32, #tpu.memory_space<vmem>>, vector<16xf32>,
        %add3A_587 = arith.constant 7 : i32
        %add3A_588 = arith.addi %add3A_112, %add3A_587 : i32
        %add3A_589 = arith.constant 7 : i32
        %add3A_590 = arith.addi %add3A_112, %add3A_589 : i32
        %get3A_591 = arith.constant 0 : i32
        %get3A_592 = tpu.memref_slice %arg6[%add3A_588, %get3A_591] : memref<200x64xf32, #tpu.memory_space<vmem>> -> memref<1x64xf32, #tpu.memory_space<vmem>>
        %get3A_593 = tpu.memref_squeeze %get3A_592 : memref<1x64xf32, #tpu.memory_space<vmem>> -> memref<64xf32, #tpu.memory_space<vmem>>
        %get3A_594 = arith.constant 0 : index
        %get3A_595 = tpu.vector_load %get3A_593[%get3A_594] {strides = array<i32>} : memref<64xf32, #tpu.memory_space<vmem>>, vector<16xf32>,
        %get3A_596 = vector.shape_cast %get3A_595 : vector<16xf32> to vector<16xf32>
        %mul3A_597 = arith.constant 1.250000e-01 : f32
        %mul3A_598 = vector.broadcast %mul3A_597 : f32 to vector<16xf32>
        %mul3A_599 = arith.mulf %get3A_596, %mul3A_598 : vector<16xf32>
        %swap3A_600 = arith.constant 0 : i32
        %swap3A_601 = tpu.memref_slice %arg8[%add3A_590, %swap3A_600] : memref<200x64xf32, #tpu.memory_space<vmem>> -> memref<1x64xf32, #tpu.memory_space<vmem>>
        %swap3A_602 = tpu.memref_squeeze %swap3A_601 : memref<1x64xf32, #tpu.memory_space<vmem>> -> memref<64xf32, #tpu.memory_space<vmem>>
        %swap3A_603 = arith.constant 0 : index
        %swap3A_604 = tpu.vector_load %swap3A_602[%swap3A_603] {strides = array<i32>} : memref<64xf32, #tpu.memory_space<vmem>>, vector<16xf32>,
        %swap3A_605 = vector.shape_cast %swap3A_604 : vector<16xf32> to vector<16xf32>
        %swap3A_606 = vector.shape_cast %mul3A_599 : vector<16xf32> to vector<16xf32>
        tpu.vector_store %swap3A_602[%swap3A_603], %swap3A_606 {strides = array<i32>} : memref<64xf32, #tpu.memory_space<vmem>>, vector<16xf32>,
        %get3A_607 = arith.constant 0 : i32
        %get3A_608 = tpu.memref_slice %arg6[%add3A_588, %get3A_607] : memref<200x64xf32, #tpu.memory_space<vmem>> -> memref<1x64xf32, #tpu.memory_space<vmem>>
        %get3A_609 = tpu.memref_squeeze %get3A_608 : memref<1x64xf32, #tpu.memory_space<vmem>> -> memref<64xf32, #tpu.memory_space<vmem>>
        %get3A_610 = arith.constant 16 : index
        %get3A_611 = tpu.vector_load %get3A_609[%get3A_610] {strides = array<i32>} : memref<64xf32, #tpu.memory_space<vmem>>, vector<16xf32>,
        %get3A_612 = vector.shape_cast %get3A_611 : vector<16xf32> to vector<16xf32>
        %mul3A_613 = arith.constant 1.250000e-01 : f32
        %mul3A_614 = vector.broadcast %mul3A_613 : f32 to vector<16xf32>
        %mul3A_615 = arith.mulf %get3A_612, %mul3A_614 : vector<16xf32>
        %swap3A_616 = arith.constant 0 : i32
        %swap3A_617 = tpu.memref_slice %arg8[%add3A_590, %swap3A_616] : memref<200x64xf32, #tpu.memory_space<vmem>> -> memref<1x64xf32, #tpu.memory_space<vmem>>
        %swap3A_618 = tpu.memref_squeeze %swap3A_617 : memref<1x64xf32, #tpu.memory_space<vmem>> -> memref<64xf32, #tpu.memory_space<vmem>>
        %swap3A_619 = arith.constant 16 : index
        %swap3A_620 = tpu.vector_load %swap3A_618[%swap3A_619] {strides = array<i32>} : memref<64xf32, #tpu.memory_space<vmem>>, vector<16xf32>,
        %swap3A_621 = vector.shape_cast %swap3A_620 : vector<16xf32> to vector<16xf32>
        %swap3A_622 = vector.shape_cast %mul3A_615 : vector<16xf32> to vector<16xf32>
        tpu.vector_store %swap3A_618[%swap3A_619], %swap3A_622 {strides = array<i32>} : memref<64xf32, #tpu.memory_space<vmem>>, vector<16xf32>,
        %get3A_623 = arith.constant 0 : i32
        %get3A_624 = tpu.memref_slice %arg6[%add3A_588, %get3A_623] : memref<200x64xf32, #tpu.memory_space<vmem>> -> memref<1x64xf32, #tpu.memory_space<vmem>>
        %get3A_625 = tpu.memref_squeeze %get3A_624 : memref<1x64xf32, #tpu.memory_space<vmem>> -> memref<64xf32, #tpu.memory_space<vmem>>
        %get3A_626 = arith.constant 32 : index
        %get3A_627 = tpu.vector_load %get3A_625[%get3A_626] {strides = array<i32>} : memref<64xf32, #tpu.memory_space<vmem>>, vector<16xf32>,
        %get3A_628 = vector.shape_cast %get3A_627 : vector<16xf32> to vector<16xf32>
        %mul3A_629 = arith.constant 1.250000e-01 : f32
        %mul3A_630 = vector.broadcast %mul3A_629 : f32 to vector<16xf32>
        %mul3A_631 = arith.mulf %get3A_628, %mul3A_630 : vector<16xf32>
        %swap3A_632 = arith.constant 0 : i32
        %swap3A_633 = tpu.memref_slice %arg8[%add3A_590, %swap3A_632] : memref<200x64xf32, #tpu.memory_space<vmem>> -> memref<1x64xf32, #tpu.memory_space<vmem>>
        %swap3A_634 = tpu.memref_squeeze %swap3A_633 : memref<1x64xf32, #tpu.memory_space<vmem>> -> memref<64xf32, #tpu.memory_space<vmem>>
        %swap3A_635 = arith.constant 32 : index
        %swap3A_636 = tpu.vector_load %swap3A_634[%swap3A_635] {strides = array<i32>} : memref<64xf32, #tpu.memory_space<vmem>>, vector<16xf32>,
        %swap3A_637 = vector.shape_cast %swap3A_636 : vector<16xf32> to vector<16xf32>
        %swap3A_638 = vector.shape_cast %mul3A_631 : vector<16xf32> to vector<16xf32>
        tpu.vector_store %swap3A_634[%swap3A_635], %swap3A_638 {strides = array<i32>} : memref<64xf32, #tpu.memory_space<vmem>>, vector<16xf32>,
        %get3A_639 = arith.constant 0 : i32
        %get3A_640 = tpu.memref_slice %arg6[%add3A_588, %get3A_639] : memref<200x64xf32, #tpu.memory_space<vmem>> -> memref<1x64xf32, #tpu.memory_space<vmem>>
        %get3A_641 = tpu.memref_squeeze %get3A_640 : memref<1x64xf32, #tpu.memory_space<vmem>> -> memref<64xf32, #tpu.memory_space<vmem>>
        %get3A_642 = arith.constant 48 : index
        %get3A_643 = tpu.vector_load %get3A_641[%get3A_642] {strides = array<i32>} : memref<64xf32, #tpu.memory_space<vmem>>, vector<16xf32>,
        %get3A_644 = vector.shape_cast %get3A_643 : vector<16xf32> to vector<16xf32>
        %mul3A_645 = arith.constant 1.250000e-01 : f32
        %mul3A_646 = vector.broadcast %mul3A_645 : f32 to vector<16xf32>
        %mul3A_647 = arith.mulf %get3A_644, %mul3A_646 : vector<16xf32>
        %swap3A_648 = arith.constant 0 : i32
        %swap3A_649 = tpu.memref_slice %arg8[%add3A_590, %swap3A_648] : memref<200x64xf32, #tpu.memory_space<vmem>> -> memref<1x64xf32, #tpu.memory_space<vmem>>
        %swap3A_650 = tpu.memref_squeeze %swap3A_649 : memref<1x64xf32, #tpu.memory_space<vmem>> -> memref<64xf32, #tpu.memory_space<vmem>>
        %swap3A_651 = arith.constant 48 : index
        %swap3A_652 = tpu.vector_load %swap3A_650[%swap3A_651] {strides = array<i32>} : memref<64xf32, #tpu.memory_space<vmem>>, vector<16xf32>,
        %swap3A_653 = vector.shape_cast %swap3A_652 : vector<16xf32> to vector<16xf32>
        %swap3A_654 = vector.shape_cast %mul3A_647 : vector<16xf32> to vector<16xf32>
        tpu.vector_store %swap3A_650[%swap3A_651], %swap3A_654 {strides = array<i32>} : memref<64xf32, #tpu.memory_space<vmem>>, vector<16xf32>,
      }
      %scan3A_58 = arith.constant 25 : i32
      %add3A_59 = arith.addi %mul3A_2, %add3A_45 : i32
      %dma_start3A_60 = arith.constant 0 : i32
      %dma_start3A_61 = arith.constant 0 : i32
      %dma_start3A_62 = tpu.memref_slice %arg4[%add3A_59, %dma_start3A_60, %dma_start3A_61] : memref<4096x200x128xf32, #tpu.memory_space<hbm>> -> memref<1x200x64xf32, #tpu.memory_space<hbm>>
      %dma_start3A_63 = tpu.memref_squeeze %dma_start3A_62 : memref<1x200x64xf32, #tpu.memory_space<hbm>> -> memref<200x64xf32, #tpu.memory_space<hbm>>
      %dma_start3A_64 = arith.constant 0 : i32
      %dma_start3A_65 = arith.constant 0 : i32
      %dma_start3A_66 = tpu.memref_slice %arg4[%add3A_59, %dma_start3A_64, %dma_start3A_65] : memref<4096x200x128xf32, #tpu.memory_space<hbm>> -> memref<1x200x64xf32, #tpu.memory_space<hbm>>
      %dma_start3A_67 = tpu.memref_squeeze %dma_start3A_66 : memref<1x200x64xf32, #tpu.memory_space<hbm>> -> memref<200x64xf32, #tpu.memory_space<hbm>>
      tpu.enqueue_dma source(%arg8 : memref<200x64xf32, #tpu.memory_space<vmem>>) target(%dma_start3A_67 : memref<200x64xf32, #tpu.memory_space<hbm>>) target_semaphore(%arg12 : memref<!tpu.dma_semaphore, #tpu.memory_space<semaphore_mem>>)
      %add3A_68 = arith.constant 2 : i32
      %add3A_69 = arith.addi %add3A_45, %add3A_68 : i32
      %lt3A = arith.constant 128 : i32
      %lt3A_70 = arith.cmpi slt, %add3A_69, %lt3A : i32
      %convert_element_type3A_71 = arith.extui %lt3A_70 : i1 to i32
      %cond3A_72 = arith.constant 0 : i32
      %cond3A_73 = arith.cmpi ne, %convert_element_type3A_71, %cond3A_72 : i32
      scf.if %cond3A_73 {
        %add3A_108 = arith.constant 2 : i32
        %add3A_109 = arith.addi %add3A_45, %add3A_108 : i32
        %dma_start3A_110 = arith.constant 0 : i32
        %dma_start3A_111 = tpu.memref_slice %arg5[%add3A_109, %dma_start3A_110] : memref<128x200xi32, #tpu.memory_space<vmem>> -> memref<1x200xi32, #tpu.memory_space<vmem>>
        %dma_start3A_112 = tpu.memref_squeeze %dma_start3A_111 : memref<1x200xi32, #tpu.memory_space<vmem>> -> memref<200xi32, #tpu.memory_space<vmem>>
        %dma_start3A_113 = arith.constant 0 : i32
        %dma_start3A_114 = arith.constant 0 : i32
        %dma_start3A_115 = tpu.memref_slice %arg2[%dma_start3A_113, %dma_start3A_114] : memref<1000000x64xf32, #tpu.memory_space<hbm>> -> memref<1000000x64xf32, #tpu.memory_space<hbm>>
        tpu.enqueue_indirect_dma source(%dma_start3A_115 : memref<1000000x64xf32, #tpu.memory_space<hbm>>) target(%arg6 : memref<200x64xf32, #tpu.memory_space<vmem>>) offsets(%dma_start3A_112 : memref<200xi32, #tpu.memory_space<vmem>>) semaphore(%arg10 : memref<!tpu.dma_semaphore, #tpu.memory_space<semaphore_mem>>)
      } else {
      }
      %add3A_74 = arith.constant 1 : i32
      %add3A_75 = arith.addi %add3A_43, %add3A_74 : i32
      %dma_wait3A_76 = arith.constant 0 : i32
      %dma_wait3A_77 = tpu.memref_slice %arg5[%add3A_75, %dma_wait3A_76] : memref<128x200xi32, #tpu.memory_space<vmem>> -> memref<1x200xi32, #tpu.memory_space<vmem>>
      %dma_wait3A_78 = tpu.memref_squeeze %dma_wait3A_77 : memref<1x200xi32, #tpu.memory_space<vmem>> -> memref<200xi32, #tpu.memory_space<vmem>>
      %dma_wait3A_79 = arith.constant 0 : i32
      %dma_wait3A_80 = arith.constant 0 : i32
      %dma_wait3A_81 = tpu.memref_slice %arg2[%dma_wait3A_79, %dma_wait3A_80] : memref<1000000x64xf32, #tpu.memory_space<hbm>> -> memref<1000000x64xf32, #tpu.memory_space<hbm>>
      tpu.wait_indirect_dma semaphore(%arg11 : memref<!tpu.dma_semaphore, #tpu.memory_space<semaphore_mem>>) src(%dma_wait3A_81 : memref<1000000x64xf32, #tpu.memory_space<hbm>>) dst(%arg7 : memref<200x64xf32, #tpu.memory_space<vmem>>)
      %ge3A_82 = arith.constant 2 : i32
      %ge3A_83 = arith.cmpi sge, %add3A_75, %ge3A_82 : i32
      %convert_element_type3A_84 = arith.extui %ge3A_83 : i1 to i32
      %cond3A_85 = arith.constant 0 : i32
      %cond3A_86 = arith.cmpi ne, %convert_element_type3A_84, %cond3A_85 : i32
      scf.if %cond3A_86 {
        %sub3A = arith.constant 2 : i32
        %sub3A_108 = arith.subi %add3A_75, %sub3A : i32
        %add3A_109 = arith.addi %mul3A_2, %sub3A_108 : i32
        %dma_wait3A_110 = arith.constant 0 : i32
        %dma_wait3A_111 = arith.constant 0 : i32
        %dma_wait3A_112 = tpu.memref_slice %arg4[%add3A_109, %dma_wait3A_110, %dma_wait3A_111] : memref<4096x200x128xf32, #tpu.memory_space<hbm>> -> memref<1x200x64xf32, #tpu.memory_space<hbm>>
        %dma_wait3A_113 = tpu.memref_squeeze %dma_wait3A_112 : memref<1x200x64xf32, #tpu.memory_space<hbm>> -> memref<200x64xf32, #tpu.memory_space<hbm>>
        %dma_wait3A_114 = arith.constant 0 : i32
        %dma_wait3A_115 = arith.constant 0 : i32
        %dma_wait3A_116 = tpu.memref_slice %arg4[%add3A_109, %dma_wait3A_114, %dma_wait3A_115] : memref<4096x200x128xf32, #tpu.memory_space<hbm>> -> memref<1x200x64xf32, #tpu.memory_space<hbm>>
        %dma_wait3A_117 = tpu.memref_squeeze %dma_wait3A_116 : memref<1x200x64xf32, #tpu.memory_space<hbm>> -> memref<200x64xf32, #tpu.memory_space<hbm>>
        tpu.wait_dma2 semaphore(%arg13 : memref<!tpu.dma_semaphore, #tpu.memory_space<semaphore_mem>>) src(%arg9 : memref<200x64xf32, #tpu.memory_space<vmem>>) dst(%dma_wait3A_117 : memref<200x64xf32, #tpu.memory_space<hbm>>)
      } else {
      }
      %scan3A_87 = arith.constant 0 : i32
      %scan3A_88 = arith.constant 25 : i32
      %scan3A_89 = arith.addi %scan3A_87, %scan3A_88 : i32
      %scan3A_90 = arith.constant 1 : i32
      scf.for %scan3A_108 = %scan3A_87 to %scan3A_89 step %scan3A_90  : i32 {
        %mul3A_109 = arith.constant 8 : i32
        %mul3A_110 = arith.muli %scan3A_108, %mul3A_109 : i32
        %add3A_111 = arith.constant 0 : i32
        %add3A_112 = arith.addi %add3A_111, %mul3A_110 : i32
        %add3A_113 = arith.constant 0 : i32
        %add3A_114 = arith.addi %add3A_112, %add3A_113 : i32
        %add3A_115 = arith.constant 0 : i32
        %add3A_116 = arith.addi %add3A_112, %add3A_115 : i32
        %get3A = arith.constant 0 : i32
        %get3A_117 = tpu.memref_slice %arg7[%add3A_114, %get3A] : memref<200x64xf32, #tpu.memory_space<vmem>> -> memref<1x64xf32, #tpu.memory_space<vmem>>
        %get3A_118 = tpu.memref_squeeze %get3A_117 : memref<1x64xf32, #tpu.memory_space<vmem>> -> memref<64xf32, #tpu.memory_space<vmem>>
        %get3A_119 = arith.constant 0 : index
        %get3A_120 = tpu.vector_load %get3A_118[%get3A_119] {strides = array<i32>} : memref<64xf32, #tpu.memory_space<vmem>>, vector<16xf32>,
        %get3A_121 = vector.shape_cast %get3A_120 : vector<16xf32> to vector<16xf32>
        %mul3A_122 = arith.constant 1.250000e-01 : f32
        %mul3A_123 = vector.broadcast %mul3A_122 : f32 to vector<16xf32>
        %mul3A_124 = arith.mulf %get3A_121, %mul3A_123 : vector<16xf32>
        %swap3A = arith.constant 0 : i32
        %swap3A_125 = tpu.memref_slice %arg9[%add3A_116, %swap3A] : memref<200x64xf32, #tpu.memory_space<vmem>> -> memref<1x64xf32, #tpu.memory_space<vmem>>
        %swap3A_126 = tpu.memref_squeeze %swap3A_125 : memref<1x64xf32, #tpu.memory_space<vmem>> -> memref<64xf32, #tpu.memory_space<vmem>>
        %swap3A_127 = arith.constant 0 : index
        %swap3A_128 = tpu.vector_load %swap3A_126[%swap3A_127] {strides = array<i32>} : memref<64xf32, #tpu.memory_space<vmem>>, vector<16xf32>,
        %swap3A_129 = vector.shape_cast %swap3A_128 : vector<16xf32> to vector<16xf32>
        %swap3A_130 = vector.shape_cast %mul3A_124 : vector<16xf32> to vector<16xf32>
        tpu.vector_store %swap3A_126[%swap3A_127], %swap3A_130 {strides = array<i32>} : memref<64xf32, #tpu.memory_space<vmem>>, vector<16xf32>,
        %get3A_131 = arith.constant 0 : i32
        %get3A_132 = tpu.memref_slice %arg7[%add3A_114, %get3A_131] : memref<200x64xf32, #tpu.memory_space<vmem>> -> memref<1x64xf32, #tpu.memory_space<vmem>>
        %get3A_133 = tpu.memref_squeeze %get3A_132 : memref<1x64xf32, #tpu.memory_space<vmem>> -> memref<64xf32, #tpu.memory_space<vmem>>
        %get3A_134 = arith.constant 16 : index
        %get3A_135 = tpu.vector_load %get3A_133[%get3A_134] {strides = array<i32>} : memref<64xf32, #tpu.memory_space<vmem>>, vector<16xf32>,
        %get3A_136 = vector.shape_cast %get3A_135 : vector<16xf32> to vector<16xf32>
        %mul3A_137 = arith.constant 1.250000e-01 : f32
        %mul3A_138 = vector.broadcast %mul3A_137 : f32 to vector<16xf32>
        %mul3A_139 = arith.mulf %get3A_136, %mul3A_138 : vector<16xf32>
        %swap3A_140 = arith.constant 0 : i32
        %swap3A_141 = tpu.memref_slice %arg9[%add3A_116, %swap3A_140] : memref<200x64xf32, #tpu.memory_space<vmem>> -> memref<1x64xf32, #tpu.memory_space<vmem>>
        %swap3A_142 = tpu.memref_squeeze %swap3A_141 : memref<1x64xf32, #tpu.memory_space<vmem>> -> memref<64xf32, #tpu.memory_space<vmem>>
        %swap3A_143 = arith.constant 16 : index
        %swap3A_144 = tpu.vector_load %swap3A_142[%swap3A_143] {strides = array<i32>} : memref<64xf32, #tpu.memory_space<vmem>>, vector<16xf32>,
        %swap3A_145 = vector.shape_cast %swap3A_144 : vector<16xf32> to vector<16xf32>
        %swap3A_146 = vector.shape_cast %mul3A_139 : vector<16xf32> to vector<16xf32>
        tpu.vector_store %swap3A_142[%swap3A_143], %swap3A_146 {strides = array<i32>} : memref<64xf32, #tpu.memory_space<vmem>>, vector<16xf32>,
        %get3A_147 = arith.constant 0 : i32
        %get3A_148 = tpu.memref_slice %arg7[%add3A_114, %get3A_147] : memref<200x64xf32, #tpu.memory_space<vmem>> -> memref<1x64xf32, #tpu.memory_space<vmem>>
        %get3A_149 = tpu.memref_squeeze %get3A_148 : memref<1x64xf32, #tpu.memory_space<vmem>> -> memref<64xf32, #tpu.memory_space<vmem>>
        %get3A_150 = arith.constant 32 : index
        %get3A_151 = tpu.vector_load %get3A_149[%get3A_150] {strides = array<i32>} : memref<64xf32, #tpu.memory_space<vmem>>, vector<16xf32>,
        %get3A_152 = vector.shape_cast %get3A_151 : vector<16xf32> to vector<16xf32>
        %mul3A_153 = arith.constant 1.250000e-01 : f32
        %mul3A_154 = vector.broadcast %mul3A_153 : f32 to vector<16xf32>
        %mul3A_155 = arith.mulf %get3A_152, %mul3A_154 : vector<16xf32>
        %swap3A_156 = arith.constant 0 : i32
        %swap3A_157 = tpu.memref_slice %arg9[%add3A_116, %swap3A_156] : memref<200x64xf32, #tpu.memory_space<vmem>> -> memref<1x64xf32, #tpu.memory_space<vmem>>
        %swap3A_158 = tpu.memref_squeeze %swap3A_157 : memref<1x64xf32, #tpu.memory_space<vmem>> -> memref<64xf32, #tpu.memory_space<vmem>>
        %swap3A_159 = arith.constant 32 : index
        %swap3A_160 = tpu.vector_load %swap3A_158[%swap3A_159] {strides = array<i32>} : memref<64xf32, #tpu.memory_space<vmem>>, vector<16xf32>,
        %swap3A_161 = vector.shape_cast %swap3A_160 : vector<16xf32> to vector<16xf32>
        %swap3A_162 = vector.shape_cast %mul3A_155 : vector<16xf32> to vector<16xf32>
        tpu.vector_store %swap3A_158[%swap3A_159], %swap3A_162 {strides = array<i32>} : memref<64xf32, #tpu.memory_space<vmem>>, vector<16xf32>,
        %get3A_163 = arith.constant 0 : i32
        %get3A_164 = tpu.memref_slice %arg7[%add3A_114, %get3A_163] : memref<200x64xf32, #tpu.memory_space<vmem>> -> memref<1x64xf32, #tpu.memory_space<vmem>>
        %get3A_165 = tpu.memref_squeeze %get3A_164 : memref<1x64xf32, #tpu.memory_space<vmem>> -> memref<64xf32, #tpu.memory_space<vmem>>
        %get3A_166 = arith.constant 48 : index
        %get3A_167 = tpu.vector_load %get3A_165[%get3A_166] {strides = array<i32>} : memref<64xf32, #tpu.memory_space<vmem>>, vector<16xf32>,
        %get3A_168 = vector.shape_cast %get3A_167 : vector<16xf32> to vector<16xf32>
        %mul3A_169 = arith.constant 1.250000e-01 : f32
        %mul3A_170 = vector.broadcast %mul3A_169 : f32 to vector<16xf32>
        %mul3A_171 = arith.mulf %get3A_168, %mul3A_170 : vector<16xf32>
        %swap3A_172 = arith.constant 0 : i32
        %swap3A_173 = tpu.memref_slice %arg9[%add3A_116, %swap3A_172] : memref<200x64xf32, #tpu.memory_space<vmem>> -> memref<1x64xf32, #tpu.memory_space<vmem>>
        %swap3A_174 = tpu.memref_squeeze %swap3A_173 : memref<1x64xf32, #tpu.memory_space<vmem>> -> memref<64xf32, #tpu.memory_space<vmem>>
        %swap3A_175 = arith.constant 48 : index
        %swap3A_176 = tpu.vector_load %swap3A_174[%swap3A_175] {strides = array<i32>} : memref<64xf32, #tpu.memory_space<vmem>>, vector<16xf32>,
        %swap3A_177 = vector.shape_cast %swap3A_176 : vector<16xf32> to vector<16xf32>
        %swap3A_178 = vector.shape_cast %mul3A_171 : vector<16xf32> to vector<16xf32>
        tpu.vector_store %swap3A_174[%swap3A_175], %swap3A_178 {strides = array<i32>} : memref<64xf32, #tpu.memory_space<vmem>>, vector<16xf32>,
        %add3A_179 = arith.constant 1 : i32
        %add3A_180 = arith.addi %add3A_112, %add3A_179 : i32
        %add3A_181 = arith.constant 1 : i32
        %add3A_182 = arith.addi %add3A_112, %add3A_181 : i32
        %get3A_183 = arith.constant 0 : i32
        %get3A_184 = tpu.memref_slice %arg7[%add3A_180, %get3A_183] : memref<200x64xf32, #tpu.memory_space<vmem>> -> memref<1x64xf32, #tpu.memory_space<vmem>>
        %get3A_185 = tpu.memref_squeeze %get3A_184 : memref<1x64xf32, #tpu.memory_space<vmem>> -> memref<64xf32, #tpu.memory_space<vmem>>
        %get3A_186 = arith.constant 0 : index
        %get3A_187 = tpu.vector_load %get3A_185[%get3A_186] {strides = array<i32>} : memref<64xf32, #tpu.memory_space<vmem>>, vector<16xf32>,
        %get3A_188 = vector.shape_cast %get3A_187 : vector<16xf32> to vector<16xf32>
        %mul3A_189 = arith.constant 1.250000e-01 : f32
        %mul3A_190 = vector.broadcast %mul3A_189 : f32 to vector<16xf32>
        %mul3A_191 = arith.mulf %get3A_188, %mul3A_190 : vector<16xf32>
        %swap3A_192 = arith.constant 0 : i32
        %swap3A_193 = tpu.memref_slice %arg9[%add3A_182, %swap3A_192] : memref<200x64xf32, #tpu.memory_space<vmem>> -> memref<1x64xf32, #tpu.memory_space<vmem>>
        %swap3A_194 = tpu.memref_squeeze %swap3A_193 : memref<1x64xf32, #tpu.memory_space<vmem>> -> memref<64xf32, #tpu.memory_space<vmem>>
        %swap3A_195 = arith.constant 0 : index
        %swap3A_196 = tpu.vector_load %swap3A_194[%swap3A_195] {strides = array<i32>} : memref<64xf32, #tpu.memory_space<vmem>>, vector<16xf32>,
        %swap3A_197 = vector.shape_cast %swap3A_196 : vector<16xf32> to vector<16xf32>
        %swap3A_198 = vector.shape_cast %mul3A_191 : vector<16xf32> to vector<16xf32>
        tpu.vector_store %swap3A_194[%swap3A_195], %swap3A_198 {strides = array<i32>} : memref<64xf32, #tpu.memory_space<vmem>>, vector<16xf32>,
        %get3A_199 = arith.constant 0 : i32
        %get3A_200 = tpu.memref_slice %arg7[%add3A_180, %get3A_199] : memref<200x64xf32, #tpu.memory_space<vmem>> -> memref<1x64xf32, #tpu.memory_space<vmem>>
        %get3A_201 = tpu.memref_squeeze %get3A_200 : memref<1x64xf32, #tpu.memory_space<vmem>> -> memref<64xf32, #tpu.memory_space<vmem>>
        %get3A_202 = arith.constant 16 : index
        %get3A_203 = tpu.vector_load %get3A_201[%get3A_202] {strides = array<i32>} : memref<64xf32, #tpu.memory_space<vmem>>, vector<16xf32>,
        %get3A_204 = vector.shape_cast %get3A_203 : vector<16xf32> to vector<16xf32>
        %mul3A_205 = arith.constant 1.250000e-01 : f32
        %mul3A_206 = vector.broadcast %mul3A_205 : f32 to vector<16xf32>
        %mul3A_207 = arith.mulf %get3A_204, %mul3A_206 : vector<16xf32>
        %swap3A_208 = arith.constant 0 : i32
        %swap3A_209 = tpu.memref_slice %arg9[%add3A_182, %swap3A_208] : memref<200x64xf32, #tpu.memory_space<vmem>> -> memref<1x64xf32, #tpu.memory_space<vmem>>
        %swap3A_210 = tpu.memref_squeeze %swap3A_209 : memref<1x64xf32, #tpu.memory_space<vmem>> -> memref<64xf32, #tpu.memory_space<vmem>>
        %swap3A_211 = arith.constant 16 : index
        %swap3A_212 = tpu.vector_load %swap3A_210[%swap3A_211] {strides = array<i32>} : memref<64xf32, #tpu.memory_space<vmem>>, vector<16xf32>,
        %swap3A_213 = vector.shape_cast %swap3A_212 : vector<16xf32> to vector<16xf32>
        %swap3A_214 = vector.shape_cast %mul3A_207 : vector<16xf32> to vector<16xf32>
        tpu.vector_store %swap3A_210[%swap3A_211], %swap3A_214 {strides = array<i32>} : memref<64xf32, #tpu.memory_space<vmem>>, vector<16xf32>,
        %get3A_215 = arith.constant 0 : i32
        %get3A_216 = tpu.memref_slice %arg7[%add3A_180, %get3A_215] : memref<200x64xf32, #tpu.memory_space<vmem>> -> memref<1x64xf32, #tpu.memory_space<vmem>>
        %get3A_217 = tpu.memref_squeeze %get3A_216 : memref<1x64xf32, #tpu.memory_space<vmem>> -> memref<64xf32, #tpu.memory_space<vmem>>
        %get3A_218 = arith.constant 32 : index
        %get3A_219 = tpu.vector_load %get3A_217[%get3A_218] {strides = array<i32>} : memref<64xf32, #tpu.memory_space<vmem>>, vector<16xf32>,
        %get3A_220 = vector.shape_cast %get3A_219 : vector<16xf32> to vector<16xf32>
        %mul3A_221 = arith.constant 1.250000e-01 : f32
        %mul3A_222 = vector.broadcast %mul3A_221 : f32 to vector<16xf32>
        %mul3A_223 = arith.mulf %get3A_220, %mul3A_222 : vector<16xf32>
        %swap3A_224 = arith.constant 0 : i32
        %swap3A_225 = tpu.memref_slice %arg9[%add3A_182, %swap3A_224] : memref<200x64xf32, #tpu.memory_space<vmem>> -> memref<1x64xf32, #tpu.memory_space<vmem>>
        %swap3A_226 = tpu.memref_squeeze %swap3A_225 : memref<1x64xf32, #tpu.memory_space<vmem>> -> memref<64xf32, #tpu.memory_space<vmem>>
        %swap3A_227 = arith.constant 32 : index
        %swap3A_228 = tpu.vector_load %swap3A_226[%swap3A_227] {strides = array<i32>} : memref<64xf32, #tpu.memory_space<vmem>>, vector<16xf32>,
        %swap3A_229 = vector.shape_cast %swap3A_228 : vector<16xf32> to vector<16xf32>
        %swap3A_230 = vector.shape_cast %mul3A_223 : vector<16xf32> to vector<16xf32>
        tpu.vector_store %swap3A_226[%swap3A_227], %swap3A_230 {strides = array<i32>} : memref<64xf32, #tpu.memory_space<vmem>>, vector<16xf32>,
        %get3A_231 = arith.constant 0 : i32
        %get3A_232 = tpu.memref_slice %arg7[%add3A_180, %get3A_231] : memref<200x64xf32, #tpu.memory_space<vmem>> -> memref<1x64xf32, #tpu.memory_space<vmem>>
        %get3A_233 = tpu.memref_squeeze %get3A_232 : memref<1x64xf32, #tpu.memory_space<vmem>> -> memref<64xf32, #tpu.memory_space<vmem>>
        %get3A_234 = arith.constant 48 : index
        %get3A_235 = tpu.vector_load %get3A_233[%get3A_234] {strides = array<i32>} : memref<64xf32, #tpu.memory_space<vmem>>, vector<16xf32>,
        %get3A_236 = vector.shape_cast %get3A_235 : vector<16xf32> to vector<16xf32>
        %mul3A_237 = arith.constant 1.250000e-01 : f32
        %mul3A_238 = vector.broadcast %mul3A_237 : f32 to vector<16xf32>
        %mul3A_239 = arith.mulf %get3A_236, %mul3A_238 : vector<16xf32>
        %swap3A_240 = arith.constant 0 : i32
        %swap3A_241 = tpu.memref_slice %arg9[%add3A_182, %swap3A_240] : memref<200x64xf32, #tpu.memory_space<vmem>> -> memref<1x64xf32, #tpu.memory_space<vmem>>
        %swap3A_242 = tpu.memref_squeeze %swap3A_241 : memref<1x64xf32, #tpu.memory_space<vmem>> -> memref<64xf32, #tpu.memory_space<vmem>>
        %swap3A_243 = arith.constant 48 : index
        %swap3A_244 = tpu.vector_load %swap3A_242[%swap3A_243] {strides = array<i32>} : memref<64xf32, #tpu.memory_space<vmem>>, vector<16xf32>,
        %swap3A_245 = vector.shape_cast %swap3A_244 : vector<16xf32> to vector<16xf32>
        %swap3A_246 = vector.shape_cast %mul3A_239 : vector<16xf32> to vector<16xf32>
        tpu.vector_store %swap3A_242[%swap3A_243], %swap3A_246 {strides = array<i32>} : memref<64xf32, #tpu.memory_space<vmem>>, vector<16xf32>,
        %add3A_247 = arith.constant 2 : i32
        %add3A_248 = arith.addi %add3A_112, %add3A_247 : i32
        %add3A_249 = arith.constant 2 : i32
        %add3A_250 = arith.addi %add3A_112, %add3A_249 : i32
        %get3A_251 = arith.constant 0 : i32
        %get3A_252 = tpu.memref_slice %arg7[%add3A_248, %get3A_251] : memref<200x64xf32, #tpu.memory_space<vmem>> -> memref<1x64xf32, #tpu.memory_space<vmem>>
        %get3A_253 = tpu.memref_squeeze %get3A_252 : memref<1x64xf32, #tpu.memory_space<vmem>> -> memref<64xf32, #tpu.memory_space<vmem>>
        %get3A_254 = arith.constant 0 : index
        %get3A_255 = tpu.vector_load %get3A_253[%get3A_254] {strides = array<i32>} : memref<64xf32, #tpu.memory_space<vmem>>, vector<16xf32>,
        %get3A_256 = vector.shape_cast %get3A_255 : vector<16xf32> to vector<16xf32>
        %mul3A_257 = arith.constant 1.250000e-01 : f32
        %mul3A_258 = vector.broadcast %mul3A_257 : f32 to vector<16xf32>
        %mul3A_259 = arith.mulf %get3A_256, %mul3A_258 : vector<16xf32>
        %swap3A_260 = arith.constant 0 : i32
        %swap3A_261 = tpu.memref_slice %arg9[%add3A_250, %swap3A_260] : memref<200x64xf32, #tpu.memory_space<vmem>> -> memref<1x64xf32, #tpu.memory_space<vmem>>
        %swap3A_262 = tpu.memref_squeeze %swap3A_261 : memref<1x64xf32, #tpu.memory_space<vmem>> -> memref<64xf32, #tpu.memory_space<vmem>>
        %swap3A_263 = arith.constant 0 : index
        %swap3A_264 = tpu.vector_load %swap3A_262[%swap3A_263] {strides = array<i32>} : memref<64xf32, #tpu.memory_space<vmem>>, vector<16xf32>,
        %swap3A_265 = vector.shape_cast %swap3A_264 : vector<16xf32> to vector<16xf32>
        %swap3A_266 = vector.shape_cast %mul3A_259 : vector<16xf32> to vector<16xf32>
        tpu.vector_store %swap3A_262[%swap3A_263], %swap3A_266 {strides = array<i32>} : memref<64xf32, #tpu.memory_space<vmem>>, vector<16xf32>,
        %get3A_267 = arith.constant 0 : i32
        %get3A_268 = tpu.memref_slice %arg7[%add3A_248, %get3A_267] : memref<200x64xf32, #tpu.memory_space<vmem>> -> memref<1x64xf32, #tpu.memory_space<vmem>>
        %get3A_269 = tpu.memref_squeeze %get3A_268 : memref<1x64xf32, #tpu.memory_space<vmem>> -> memref<64xf32, #tpu.memory_space<vmem>>
        %get3A_270 = arith.constant 16 : index
        %get3A_271 = tpu.vector_load %get3A_269[%get3A_270] {strides = array<i32>} : memref<64xf32, #tpu.memory_space<vmem>>, vector<16xf32>,
        %get3A_272 = vector.shape_cast %get3A_271 : vector<16xf32> to vector<16xf32>
        %mul3A_273 = arith.constant 1.250000e-01 : f32
        %mul3A_274 = vector.broadcast %mul3A_273 : f32 to vector<16xf32>
        %mul3A_275 = arith.mulf %get3A_272, %mul3A_274 : vector<16xf32>
        %swap3A_276 = arith.constant 0 : i32
        %swap3A_277 = tpu.memref_slice %arg9[%add3A_250, %swap3A_276] : memref<200x64xf32, #tpu.memory_space<vmem>> -> memref<1x64xf32, #tpu.memory_space<vmem>>
        %swap3A_278 = tpu.memref_squeeze %swap3A_277 : memref<1x64xf32, #tpu.memory_space<vmem>> -> memref<64xf32, #tpu.memory_space<vmem>>
        %swap3A_279 = arith.constant 16 : index
        %swap3A_280 = tpu.vector_load %swap3A_278[%swap3A_279] {strides = array<i32>} : memref<64xf32, #tpu.memory_space<vmem>>, vector<16xf32>,
        %swap3A_281 = vector.shape_cast %swap3A_280 : vector<16xf32> to vector<16xf32>
        %swap3A_282 = vector.shape_cast %mul3A_275 : vector<16xf32> to vector<16xf32>
        tpu.vector_store %swap3A_278[%swap3A_279], %swap3A_282 {strides = array<i32>} : memref<64xf32, #tpu.memory_space<vmem>>, vector<16xf32>,
        %get3A_283 = arith.constant 0 : i32
        %get3A_284 = tpu.memref_slice %arg7[%add3A_248, %get3A_283] : memref<200x64xf32, #tpu.memory_space<vmem>> -> memref<1x64xf32, #tpu.memory_space<vmem>>
        %get3A_285 = tpu.memref_squeeze %get3A_284 : memref<1x64xf32, #tpu.memory_space<vmem>> -> memref<64xf32, #tpu.memory_space<vmem>>
        %get3A_286 = arith.constant 32 : index
        %get3A_287 = tpu.vector_load %get3A_285[%get3A_286] {strides = array<i32>} : memref<64xf32, #tpu.memory_space<vmem>>, vector<16xf32>,
        %get3A_288 = vector.shape_cast %get3A_287 : vector<16xf32> to vector<16xf32>
        %mul3A_289 = arith.constant 1.250000e-01 : f32
        %mul3A_290 = vector.broadcast %mul3A_289 : f32 to vector<16xf32>
        %mul3A_291 = arith.mulf %get3A_288, %mul3A_290 : vector<16xf32>
        %swap3A_292 = arith.constant 0 : i32
        %swap3A_293 = tpu.memref_slice %arg9[%add3A_250, %swap3A_292] : memref<200x64xf32, #tpu.memory_space<vmem>> -> memref<1x64xf32, #tpu.memory_space<vmem>>
        %swap3A_294 = tpu.memref_squeeze %swap3A_293 : memref<1x64xf32, #tpu.memory_space<vmem>> -> memref<64xf32, #tpu.memory_space<vmem>>
        %swap3A_295 = arith.constant 32 : index
        %swap3A_296 = tpu.vector_load %swap3A_294[%swap3A_295] {strides = array<i32>} : memref<64xf32, #tpu.memory_space<vmem>>, vector<16xf32>,
        %swap3A_297 = vector.shape_cast %swap3A_296 : vector<16xf32> to vector<16xf32>
        %swap3A_298 = vector.shape_cast %mul3A_291 : vector<16xf32> to vector<16xf32>
        tpu.vector_store %swap3A_294[%swap3A_295], %swap3A_298 {strides = array<i32>} : memref<64xf32, #tpu.memory_space<vmem>>, vector<16xf32>,
        %get3A_299 = arith.constant 0 : i32
        %get3A_300 = tpu.memref_slice %arg7[%add3A_248, %get3A_299] : memref<200x64xf32, #tpu.memory_space<vmem>> -> memref<1x64xf32, #tpu.memory_space<vmem>>
        %get3A_301 = tpu.memref_squeeze %get3A_300 : memref<1x64xf32, #tpu.memory_space<vmem>> -> memref<64xf32, #tpu.memory_space<vmem>>
        %get3A_302 = arith.constant 48 : index
        %get3A_303 = tpu.vector_load %get3A_301[%get3A_302] {strides = array<i32>} : memref<64xf32, #tpu.memory_space<vmem>>, vector<16xf32>,
        %get3A_304 = vector.shape_cast %get3A_303 : vector<16xf32> to vector<16xf32>
        %mul3A_305 = arith.constant 1.250000e-01 : f32
        %mul3A_306 = vector.broadcast %mul3A_305 : f32 to vector<16xf32>
        %mul3A_307 = arith.mulf %get3A_304, %mul3A_306 : vector<16xf32>
        %swap3A_308 = arith.constant 0 : i32
        %swap3A_309 = tpu.memref_slice %arg9[%add3A_250, %swap3A_308] : memref<200x64xf32, #tpu.memory_space<vmem>> -> memref<1x64xf32, #tpu.memory_space<vmem>>
        %swap3A_310 = tpu.memref_squeeze %swap3A_309 : memref<1x64xf32, #tpu.memory_space<vmem>> -> memref<64xf32, #tpu.memory_space<vmem>>
        %swap3A_311 = arith.constant 48 : index
        %swap3A_312 = tpu.vector_load %swap3A_310[%swap3A_311] {strides = array<i32>} : memref<64xf32, #tpu.memory_space<vmem>>, vector<16xf32>,
        %swap3A_313 = vector.shape_cast %swap3A_312 : vector<16xf32> to vector<16xf32>
        %swap3A_314 = vector.shape_cast %mul3A_307 : vector<16xf32> to vector<16xf32>
        tpu.vector_store %swap3A_310[%swap3A_311], %swap3A_314 {strides = array<i32>} : memref<64xf32, #tpu.memory_space<vmem>>, vector<16xf32>,
        %add3A_315 = arith.constant 3 : i32
        %add3A_316 = arith.addi %add3A_112, %add3A_315 : i32
        %add3A_317 = arith.constant 3 : i32
        %add3A_318 = arith.addi %add3A_112, %add3A_317 : i32
        %get3A_319 = arith.constant 0 : i32
        %get3A_320 = tpu.memref_slice %arg7[%add3A_316, %get3A_319] : memref<200x64xf32, #tpu.memory_space<vmem>> -> memref<1x64xf32, #tpu.memory_space<vmem>>
        %get3A_321 = tpu.memref_squeeze %get3A_320 : memref<1x64xf32, #tpu.memory_space<vmem>> -> memref<64xf32, #tpu.memory_space<vmem>>
        %get3A_322 = arith.constant 0 : index
        %get3A_323 = tpu.vector_load %get3A_321[%get3A_322] {strides = array<i32>} : memref<64xf32, #tpu.memory_space<vmem>>, vector<16xf32>,
        %get3A_324 = vector.shape_cast %get3A_323 : vector<16xf32> to vector<16xf32>
        %mul3A_325 = arith.constant 1.250000e-01 : f32
        %mul3A_326 = vector.broadcast %mul3A_325 : f32 to vector<16xf32>
        %mul3A_327 = arith.mulf %get3A_324, %mul3A_326 : vector<16xf32>
        %swap3A_328 = arith.constant 0 : i32
        %swap3A_329 = tpu.memref_slice %arg9[%add3A_318, %swap3A_328] : memref<200x64xf32, #tpu.memory_space<vmem>> -> memref<1x64xf32, #tpu.memory_space<vmem>>
        %swap3A_330 = tpu.memref_squeeze %swap3A_329 : memref<1x64xf32, #tpu.memory_space<vmem>> -> memref<64xf32, #tpu.memory_space<vmem>>
        %swap3A_331 = arith.constant 0 : index
        %swap3A_332 = tpu.vector_load %swap3A_330[%swap3A_331] {strides = array<i32>} : memref<64xf32, #tpu.memory_space<vmem>>, vector<16xf32>,
        %swap3A_333 = vector.shape_cast %swap3A_332 : vector<16xf32> to vector<16xf32>
        %swap3A_334 = vector.shape_cast %mul3A_327 : vector<16xf32> to vector<16xf32>
        tpu.vector_store %swap3A_330[%swap3A_331], %swap3A_334 {strides = array<i32>} : memref<64xf32, #tpu.memory_space<vmem>>, vector<16xf32>,
        %get3A_335 = arith.constant 0 : i32
        %get3A_336 = tpu.memref_slice %arg7[%add3A_316, %get3A_335] : memref<200x64xf32, #tpu.memory_space<vmem>> -> memref<1x64xf32, #tpu.memory_space<vmem>>
        %get3A_337 = tpu.memref_squeeze %get3A_336 : memref<1x64xf32, #tpu.memory_space<vmem>> -> memref<64xf32, #tpu.memory_space<vmem>>
        %get3A_338 = arith.constant 16 : index
        %get3A_339 = tpu.vector_load %get3A_337[%get3A_338] {strides = array<i32>} : memref<64xf32, #tpu.memory_space<vmem>>, vector<16xf32>,
        %get3A_340 = vector.shape_cast %get3A_339 : vector<16xf32> to vector<16xf32>
        %mul3A_341 = arith.constant 1.250000e-01 : f32
        %mul3A_342 = vector.broadcast %mul3A_341 : f32 to vector<16xf32>
        %mul3A_343 = arith.mulf %get3A_340, %mul3A_342 : vector<16xf32>
        %swap3A_344 = arith.constant 0 : i32
        %swap3A_345 = tpu.memref_slice %arg9[%add3A_318, %swap3A_344] : memref<200x64xf32, #tpu.memory_space<vmem>> -> memref<1x64xf32, #tpu.memory_space<vmem>>
        %swap3A_346 = tpu.memref_squeeze %swap3A_345 : memref<1x64xf32, #tpu.memory_space<vmem>> -> memref<64xf32, #tpu.memory_space<vmem>>
        %swap3A_347 = arith.constant 16 : index
        %swap3A_348 = tpu.vector_load %swap3A_346[%swap3A_347] {strides = array<i32>} : memref<64xf32, #tpu.memory_space<vmem>>, vector<16xf32>,
        %swap3A_349 = vector.shape_cast %swap3A_348 : vector<16xf32> to vector<16xf32>
        %swap3A_350 = vector.shape_cast %mul3A_343 : vector<16xf32> to vector<16xf32>
        tpu.vector_store %swap3A_346[%swap3A_347], %swap3A_350 {strides = array<i32>} : memref<64xf32, #tpu.memory_space<vmem>>, vector<16xf32>,
        %get3A_351 = arith.constant 0 : i32
        %get3A_352 = tpu.memref_slice %arg7[%add3A_316, %get3A_351] : memref<200x64xf32, #tpu.memory_space<vmem>> -> memref<1x64xf32, #tpu.memory_space<vmem>>
        %get3A_353 = tpu.memref_squeeze %get3A_352 : memref<1x64xf32, #tpu.memory_space<vmem>> -> memref<64xf32, #tpu.memory_space<vmem>>
        %get3A_354 = arith.constant 32 : index
        %get3A_355 = tpu.vector_load %get3A_353[%get3A_354] {strides = array<i32>} : memref<64xf32, #tpu.memory_space<vmem>>, vector<16xf32>,
        %get3A_356 = vector.shape_cast %get3A_355 : vector<16xf32> to vector<16xf32>
        %mul3A_357 = arith.constant 1.250000e-01 : f32
        %mul3A_358 = vector.broadcast %mul3A_357 : f32 to vector<16xf32>
        %mul3A_359 = arith.mulf %get3A_356, %mul3A_358 : vector<16xf32>
        %swap3A_360 = arith.constant 0 : i32
        %swap3A_361 = tpu.memref_slice %arg9[%add3A_318, %swap3A_360] : memref<200x64xf32, #tpu.memory_space<vmem>> -> memref<1x64xf32, #tpu.memory_space<vmem>>
        %swap3A_362 = tpu.memref_squeeze %swap3A_361 : memref<1x64xf32, #tpu.memory_space<vmem>> -> memref<64xf32, #tpu.memory_space<vmem>>
        %swap3A_363 = arith.constant 32 : index
        %swap3A_364 = tpu.vector_load %swap3A_362[%swap3A_363] {strides = array<i32>} : memref<64xf32, #tpu.memory_space<vmem>>, vector<16xf32>,
        %swap3A_365 = vector.shape_cast %swap3A_364 : vector<16xf32> to vector<16xf32>
        %swap3A_366 = vector.shape_cast %mul3A_359 : vector<16xf32> to vector<16xf32>
        tpu.vector_store %swap3A_362[%swap3A_363], %swap3A_366 {strides = array<i32>} : memref<64xf32, #tpu.memory_space<vmem>>, vector<16xf32>,
        %get3A_367 = arith.constant 0 : i32
        %get3A_368 = tpu.memref_slice %arg7[%add3A_316, %get3A_367] : memref<200x64xf32, #tpu.memory_space<vmem>> -> memref<1x64xf32, #tpu.memory_space<vmem>>
        %get3A_369 = tpu.memref_squeeze %get3A_368 : memref<1x64xf32, #tpu.memory_space<vmem>> -> memref<64xf32, #tpu.memory_space<vmem>>
        %get3A_370 = arith.constant 48 : index
        %get3A_371 = tpu.vector_load %get3A_369[%get3A_370] {strides = array<i32>} : memref<64xf32, #tpu.memory_space<vmem>>, vector<16xf32>,
        %get3A_372 = vector.shape_cast %get3A_371 : vector<16xf32> to vector<16xf32>
        %mul3A_373 = arith.constant 1.250000e-01 : f32
        %mul3A_374 = vector.broadcast %mul3A_373 : f32 to vector<16xf32>
        %mul3A_375 = arith.mulf %get3A_372, %mul3A_374 : vector<16xf32>
        %swap3A_376 = arith.constant 0 : i32
        %swap3A_377 = tpu.memref_slice %arg9[%add3A_318, %swap3A_376] : memref<200x64xf32, #tpu.memory_space<vmem>> -> memref<1x64xf32, #tpu.memory_space<vmem>>
        %swap3A_378 = tpu.memref_squeeze %swap3A_377 : memref<1x64xf32, #tpu.memory_space<vmem>> -> memref<64xf32, #tpu.memory_space<vmem>>
        %swap3A_379 = arith.constant 48 : index
        %swap3A_380 = tpu.vector_load %swap3A_378[%swap3A_379] {strides = array<i32>} : memref<64xf32, #tpu.memory_space<vmem>>, vector<16xf32>,
        %swap3A_381 = vector.shape_cast %swap3A_380 : vector<16xf32> to vector<16xf32>
        %swap3A_382 = vector.shape_cast %mul3A_375 : vector<16xf32> to vector<16xf32>
        tpu.vector_store %swap3A_378[%swap3A_379], %swap3A_382 {strides = array<i32>} : memref<64xf32, #tpu.memory_space<vmem>>, vector<16xf32>,
        %add3A_383 = arith.constant 4 : i32
        %add3A_384 = arith.addi %add3A_112, %add3A_383 : i32
        %add3A_385 = arith.constant 4 : i32
        %add3A_386 = arith.addi %add3A_112, %add3A_385 : i32
        %get3A_387 = arith.constant 0 : i32
        %get3A_388 = tpu.memref_slice %arg7[%add3A_384, %get3A_387] : memref<200x64xf32, #tpu.memory_space<vmem>> -> memref<1x64xf32, #tpu.memory_space<vmem>>
        %get3A_389 = tpu.memref_squeeze %get3A_388 : memref<1x64xf32, #tpu.memory_space<vmem>> -> memref<64xf32, #tpu.memory_space<vmem>>
        %get3A_390 = arith.constant 0 : index
        %get3A_391 = tpu.vector_load %get3A_389[%get3A_390] {strides = array<i32>} : memref<64xf32, #tpu.memory_space<vmem>>, vector<16xf32>,
        %get3A_392 = vector.shape_cast %get3A_391 : vector<16xf32> to vector<16xf32>
        %mul3A_393 = arith.constant 1.250000e-01 : f32
        %mul3A_394 = vector.broadcast %mul3A_393 : f32 to vector<16xf32>
        %mul3A_395 = arith.mulf %get3A_392, %mul3A_394 : vector<16xf32>
        %swap3A_396 = arith.constant 0 : i32
        %swap3A_397 = tpu.memref_slice %arg9[%add3A_386, %swap3A_396] : memref<200x64xf32, #tpu.memory_space<vmem>> -> memref<1x64xf32, #tpu.memory_space<vmem>>
        %swap3A_398 = tpu.memref_squeeze %swap3A_397 : memref<1x64xf32, #tpu.memory_space<vmem>> -> memref<64xf32, #tpu.memory_space<vmem>>
        %swap3A_399 = arith.constant 0 : index
        %swap3A_400 = tpu.vector_load %swap3A_398[%swap3A_399] {strides = array<i32>} : memref<64xf32, #tpu.memory_space<vmem>>, vector<16xf32>,
        %swap3A_401 = vector.shape_cast %swap3A_400 : vector<16xf32> to vector<16xf32>
        %swap3A_402 = vector.shape_cast %mul3A_395 : vector<16xf32> to vector<16xf32>
        tpu.vector_store %swap3A_398[%swap3A_399], %swap3A_402 {strides = array<i32>} : memref<64xf32, #tpu.memory_space<vmem>>, vector<16xf32>,
        %get3A_403 = arith.constant 0 : i32
        %get3A_404 = tpu.memref_slice %arg7[%add3A_384, %get3A_403] : memref<200x64xf32, #tpu.memory_space<vmem>> -> memref<1x64xf32, #tpu.memory_space<vmem>>
        %get3A_405 = tpu.memref_squeeze %get3A_404 : memref<1x64xf32, #tpu.memory_space<vmem>> -> memref<64xf32, #tpu.memory_space<vmem>>
        %get3A_406 = arith.constant 16 : index
        %get3A_407 = tpu.vector_load %get3A_405[%get3A_406] {strides = array<i32>} : memref<64xf32, #tpu.memory_space<vmem>>, vector<16xf32>,
        %get3A_408 = vector.shape_cast %get3A_407 : vector<16xf32> to vector<16xf32>
        %mul3A_409 = arith.constant 1.250000e-01 : f32
        %mul3A_410 = vector.broadcast %mul3A_409 : f32 to vector<16xf32>
        %mul3A_411 = arith.mulf %get3A_408, %mul3A_410 : vector<16xf32>
        %swap3A_412 = arith.constant 0 : i32
        %swap3A_413 = tpu.memref_slice %arg9[%add3A_386, %swap3A_412] : memref<200x64xf32, #tpu.memory_space<vmem>> -> memref<1x64xf32, #tpu.memory_space<vmem>>
        %swap3A_414 = tpu.memref_squeeze %swap3A_413 : memref<1x64xf32, #tpu.memory_space<vmem>> -> memref<64xf32, #tpu.memory_space<vmem>>
        %swap3A_415 = arith.constant 16 : index
        %swap3A_416 = tpu.vector_load %swap3A_414[%swap3A_415] {strides = array<i32>} : memref<64xf32, #tpu.memory_space<vmem>>, vector<16xf32>,
        %swap3A_417 = vector.shape_cast %swap3A_416 : vector<16xf32> to vector<16xf32>
        %swap3A_418 = vector.shape_cast %mul3A_411 : vector<16xf32> to vector<16xf32>
        tpu.vector_store %swap3A_414[%swap3A_415], %swap3A_418 {strides = array<i32>} : memref<64xf32, #tpu.memory_space<vmem>>, vector<16xf32>,
        %get3A_419 = arith.constant 0 : i32
        %get3A_420 = tpu.memref_slice %arg7[%add3A_384, %get3A_419] : memref<200x64xf32, #tpu.memory_space<vmem>> -> memref<1x64xf32, #tpu.memory_space<vmem>>
        %get3A_421 = tpu.memref_squeeze %get3A_420 : memref<1x64xf32, #tpu.memory_space<vmem>> -> memref<64xf32, #tpu.memory_space<vmem>>
        %get3A_422 = arith.constant 32 : index
        %get3A_423 = tpu.vector_load %get3A_421[%get3A_422] {strides = array<i32>} : memref<64xf32, #tpu.memory_space<vmem>>, vector<16xf32>,
        %get3A_424 = vector.shape_cast %get3A_423 : vector<16xf32> to vector<16xf32>
        %mul3A_425 = arith.constant 1.250000e-01 : f32
        %mul3A_426 = vector.broadcast %mul3A_425 : f32 to vector<16xf32>
        %mul3A_427 = arith.mulf %get3A_424, %mul3A_426 : vector<16xf32>
        %swap3A_428 = arith.constant 0 : i32
        %swap3A_429 = tpu.memref_slice %arg9[%add3A_386, %swap3A_428] : memref<200x64xf32, #tpu.memory_space<vmem>> -> memref<1x64xf32, #tpu.memory_space<vmem>>
        %swap3A_430 = tpu.memref_squeeze %swap3A_429 : memref<1x64xf32, #tpu.memory_space<vmem>> -> memref<64xf32, #tpu.memory_space<vmem>>
        %swap3A_431 = arith.constant 32 : index
        %swap3A_432 = tpu.vector_load %swap3A_430[%swap3A_431] {strides = array<i32>} : memref<64xf32, #tpu.memory_space<vmem>>, vector<16xf32>,
        %swap3A_433 = vector.shape_cast %swap3A_432 : vector<16xf32> to vector<16xf32>
        %swap3A_434 = vector.shape_cast %mul3A_427 : vector<16xf32> to vector<16xf32>
        tpu.vector_store %swap3A_430[%swap3A_431], %swap3A_434 {strides = array<i32>} : memref<64xf32, #tpu.memory_space<vmem>>, vector<16xf32>,
        %get3A_435 = arith.constant 0 : i32
        %get3A_436 = tpu.memref_slice %arg7[%add3A_384, %get3A_435] : memref<200x64xf32, #tpu.memory_space<vmem>> -> memref<1x64xf32, #tpu.memory_space<vmem>>
        %get3A_437 = tpu.memref_squeeze %get3A_436 : memref<1x64xf32, #tpu.memory_space<vmem>> -> memref<64xf32, #tpu.memory_space<vmem>>
        %get3A_438 = arith.constant 48 : index
        %get3A_439 = tpu.vector_load %get3A_437[%get3A_438] {strides = array<i32>} : memref<64xf32, #tpu.memory_space<vmem>>, vector<16xf32>,
        %get3A_440 = vector.shape_cast %get3A_439 : vector<16xf32> to vector<16xf32>
        %mul3A_441 = arith.constant 1.250000e-01 : f32
        %mul3A_442 = vector.broadcast %mul3A_441 : f32 to vector<16xf32>
        %mul3A_443 = arith.mulf %get3A_440, %mul3A_442 : vector<16xf32>
        %swap3A_444 = arith.constant 0 : i32
        %swap3A_445 = tpu.memref_slice %arg9[%add3A_386, %swap3A_444] : memref<200x64xf32, #tpu.memory_space<vmem>> -> memref<1x64xf32, #tpu.memory_space<vmem>>
        %swap3A_446 = tpu.memref_squeeze %swap3A_445 : memref<1x64xf32, #tpu.memory_space<vmem>> -> memref<64xf32, #tpu.memory_space<vmem>>
        %swap3A_447 = arith.constant 48 : index
        %swap3A_448 = tpu.vector_load %swap3A_446[%swap3A_447] {strides = array<i32>} : memref<64xf32, #tpu.memory_space<vmem>>, vector<16xf32>,
        %swap3A_449 = vector.shape_cast %swap3A_448 : vector<16xf32> to vector<16xf32>
        %swap3A_450 = vector.shape_cast %mul3A_443 : vector<16xf32> to vector<16xf32>
        tpu.vector_store %swap3A_446[%swap3A_447], %swap3A_450 {strides = array<i32>} : memref<64xf32, #tpu.memory_space<vmem>>, vector<16xf32>,
        %add3A_451 = arith.constant 5 : i32
        %add3A_452 = arith.addi %add3A_112, %add3A_451 : i32
        %add3A_453 = arith.constant 5 : i32
        %add3A_454 = arith.addi %add3A_112, %add3A_453 : i32
        %get3A_455 = arith.constant 0 : i32
        %get3A_456 = tpu.memref_slice %arg7[%add3A_452, %get3A_455] : memref<200x64xf32, #tpu.memory_space<vmem>> -> memref<1x64xf32, #tpu.memory_space<vmem>>
        %get3A_457 = tpu.memref_squeeze %get3A_456 : memref<1x64xf32, #tpu.memory_space<vmem>> -> memref<64xf32, #tpu.memory_space<vmem>>
        %get3A_458 = arith.constant 0 : index
        %get3A_459 = tpu.vector_load %get3A_457[%get3A_458] {strides = array<i32>} : memref<64xf32, #tpu.memory_space<vmem>>, vector<16xf32>,
        %get3A_460 = vector.shape_cast %get3A_459 : vector<16xf32> to vector<16xf32>
        %mul3A_461 = arith.constant 1.250000e-01 : f32
        %mul3A_462 = vector.broadcast %mul3A_461 : f32 to vector<16xf32>
        %mul3A_463 = arith.mulf %get3A_460, %mul3A_462 : vector<16xf32>
        %swap3A_464 = arith.constant 0 : i32
        %swap3A_465 = tpu.memref_slice %arg9[%add3A_454, %swap3A_464] : memref<200x64xf32, #tpu.memory_space<vmem>> -> memref<1x64xf32, #tpu.memory_space<vmem>>
        %swap3A_466 = tpu.memref_squeeze %swap3A_465 : memref<1x64xf32, #tpu.memory_space<vmem>> -> memref<64xf32, #tpu.memory_space<vmem>>
        %swap3A_467 = arith.constant 0 : index
        %swap3A_468 = tpu.vector_load %swap3A_466[%swap3A_467] {strides = array<i32>} : memref<64xf32, #tpu.memory_space<vmem>>, vector<16xf32>,
        %swap3A_469 = vector.shape_cast %swap3A_468 : vector<16xf32> to vector<16xf32>
        %swap3A_470 = vector.shape_cast %mul3A_463 : vector<16xf32> to vector<16xf32>
        tpu.vector_store %swap3A_466[%swap3A_467], %swap3A_470 {strides = array<i32>} : memref<64xf32, #tpu.memory_space<vmem>>, vector<16xf32>,
        %get3A_471 = arith.constant 0 : i32
        %get3A_472 = tpu.memref_slice %arg7[%add3A_452, %get3A_471] : memref<200x64xf32, #tpu.memory_space<vmem>> -> memref<1x64xf32, #tpu.memory_space<vmem>>
        %get3A_473 = tpu.memref_squeeze %get3A_472 : memref<1x64xf32, #tpu.memory_space<vmem>> -> memref<64xf32, #tpu.memory_space<vmem>>
        %get3A_474 = arith.constant 16 : index
        %get3A_475 = tpu.vector_load %get3A_473[%get3A_474] {strides = array<i32>} : memref<64xf32, #tpu.memory_space<vmem>>, vector<16xf32>,
        %get3A_476 = vector.shape_cast %get3A_475 : vector<16xf32> to vector<16xf32>
        %mul3A_477 = arith.constant 1.250000e-01 : f32
        %mul3A_478 = vector.broadcast %mul3A_477 : f32 to vector<16xf32>
        %mul3A_479 = arith.mulf %get3A_476, %mul3A_478 : vector<16xf32>
        %swap3A_480 = arith.constant 0 : i32
        %swap3A_481 = tpu.memref_slice %arg9[%add3A_454, %swap3A_480] : memref<200x64xf32, #tpu.memory_space<vmem>> -> memref<1x64xf32, #tpu.memory_space<vmem>>
        %swap3A_482 = tpu.memref_squeeze %swap3A_481 : memref<1x64xf32, #tpu.memory_space<vmem>> -> memref<64xf32, #tpu.memory_space<vmem>>
        %swap3A_483 = arith.constant 16 : index
        %swap3A_484 = tpu.vector_load %swap3A_482[%swap3A_483] {strides = array<i32>} : memref<64xf32, #tpu.memory_space<vmem>>, vector<16xf32>,
        %swap3A_485 = vector.shape_cast %swap3A_484 : vector<16xf32> to vector<16xf32>
        %swap3A_486 = vector.shape_cast %mul3A_479 : vector<16xf32> to vector<16xf32>
        tpu.vector_store %swap3A_482[%swap3A_483], %swap3A_486 {strides = array<i32>} : memref<64xf32, #tpu.memory_space<vmem>>, vector<16xf32>,
        %get3A_487 = arith.constant 0 : i32
        %get3A_488 = tpu.memref_slice %arg7[%add3A_452, %get3A_487] : memref<200x64xf32, #tpu.memory_space<vmem>> -> memref<1x64xf32, #tpu.memory_space<vmem>>
        %get3A_489 = tpu.memref_squeeze %get3A_488 : memref<1x64xf32, #tpu.memory_space<vmem>> -> memref<64xf32, #tpu.memory_space<vmem>>
        %get3A_490 = arith.constant 32 : index
        %get3A_491 = tpu.vector_load %get3A_489[%get3A_490] {strides = array<i32>} : memref<64xf32, #tpu.memory_space<vmem>>, vector<16xf32>,
        %get3A_492 = vector.shape_cast %get3A_491 : vector<16xf32> to vector<16xf32>
        %mul3A_493 = arith.constant 1.250000e-01 : f32
        %mul3A_494 = vector.broadcast %mul3A_493 : f32 to vector<16xf32>
        %mul3A_495 = arith.mulf %get3A_492, %mul3A_494 : vector<16xf32>
        %swap3A_496 = arith.constant 0 : i32
        %swap3A_497 = tpu.memref_slice %arg9[%add3A_454, %swap3A_496] : memref<200x64xf32, #tpu.memory_space<vmem>> -> memref<1x64xf32, #tpu.memory_space<vmem>>
        %swap3A_498 = tpu.memref_squeeze %swap3A_497 : memref<1x64xf32, #tpu.memory_space<vmem>> -> memref<64xf32, #tpu.memory_space<vmem>>
        %swap3A_499 = arith.constant 32 : index
        %swap3A_500 = tpu.vector_load %swap3A_498[%swap3A_499] {strides = array<i32>} : memref<64xf32, #tpu.memory_space<vmem>>, vector<16xf32>,
        %swap3A_501 = vector.shape_cast %swap3A_500 : vector<16xf32> to vector<16xf32>
        %swap3A_502 = vector.shape_cast %mul3A_495 : vector<16xf32> to vector<16xf32>
        tpu.vector_store %swap3A_498[%swap3A_499], %swap3A_502 {strides = array<i32>} : memref<64xf32, #tpu.memory_space<vmem>>, vector<16xf32>,
        %get3A_503 = arith.constant 0 : i32
        %get3A_504 = tpu.memref_slice %arg7[%add3A_452, %get3A_503] : memref<200x64xf32, #tpu.memory_space<vmem>> -> memref<1x64xf32, #tpu.memory_space<vmem>>
        %get3A_505 = tpu.memref_squeeze %get3A_504 : memref<1x64xf32, #tpu.memory_space<vmem>> -> memref<64xf32, #tpu.memory_space<vmem>>
        %get3A_506 = arith.constant 48 : index
        %get3A_507 = tpu.vector_load %get3A_505[%get3A_506] {strides = array<i32>} : memref<64xf32, #tpu.memory_space<vmem>>, vector<16xf32>,
        %get3A_508 = vector.shape_cast %get3A_507 : vector<16xf32> to vector<16xf32>
        %mul3A_509 = arith.constant 1.250000e-01 : f32
        %mul3A_510 = vector.broadcast %mul3A_509 : f32 to vector<16xf32>
        %mul3A_511 = arith.mulf %get3A_508, %mul3A_510 : vector<16xf32>
        %swap3A_512 = arith.constant 0 : i32
        %swap3A_513 = tpu.memref_slice %arg9[%add3A_454, %swap3A_512] : memref<200x64xf32, #tpu.memory_space<vmem>> -> memref<1x64xf32, #tpu.memory_space<vmem>>
        %swap3A_514 = tpu.memref_squeeze %swap3A_513 : memref<1x64xf32, #tpu.memory_space<vmem>> -> memref<64xf32, #tpu.memory_space<vmem>>
        %swap3A_515 = arith.constant 48 : index
        %swap3A_516 = tpu.vector_load %swap3A_514[%swap3A_515] {strides = array<i32>} : memref<64xf32, #tpu.memory_space<vmem>>, vector<16xf32>,
        %swap3A_517 = vector.shape_cast %swap3A_516 : vector<16xf32> to vector<16xf32>
        %swap3A_518 = vector.shape_cast %mul3A_511 : vector<16xf32> to vector<16xf32>
        tpu.vector_store %swap3A_514[%swap3A_515], %swap3A_518 {strides = array<i32>} : memref<64xf32, #tpu.memory_space<vmem>>, vector<16xf32>,
        %add3A_519 = arith.constant 6 : i32
        %add3A_520 = arith.addi %add3A_112, %add3A_519 : i32
        %add3A_521 = arith.constant 6 : i32
        %add3A_522 = arith.addi %add3A_112, %add3A_521 : i32
        %get3A_523 = arith.constant 0 : i32
        %get3A_524 = tpu.memref_slice %arg7[%add3A_520, %get3A_523] : memref<200x64xf32, #tpu.memory_space<vmem>> -> memref<1x64xf32, #tpu.memory_space<vmem>>
        %get3A_525 = tpu.memref_squeeze %get3A_524 : memref<1x64xf32, #tpu.memory_space<vmem>> -> memref<64xf32, #tpu.memory_space<vmem>>
        %get3A_526 = arith.constant 0 : index
        %get3A_527 = tpu.vector_load %get3A_525[%get3A_526] {strides = array<i32>} : memref<64xf32, #tpu.memory_space<vmem>>, vector<16xf32>,
        %get3A_528 = vector.shape_cast %get3A_527 : vector<16xf32> to vector<16xf32>
        %mul3A_529 = arith.constant 1.250000e-01 : f32
        %mul3A_530 = vector.broadcast %mul3A_529 : f32 to vector<16xf32>
        %mul3A_531 = arith.mulf %get3A_528, %mul3A_530 : vector<16xf32>
        %swap3A_532 = arith.constant 0 : i32
        %swap3A_533 = tpu.memref_slice %arg9[%add3A_522, %swap3A_532] : memref<200x64xf32, #tpu.memory_space<vmem>> -> memref<1x64xf32, #tpu.memory_space<vmem>>
        %swap3A_534 = tpu.memref_squeeze %swap3A_533 : memref<1x64xf32, #tpu.memory_space<vmem>> -> memref<64xf32, #tpu.memory_space<vmem>>
        %swap3A_535 = arith.constant 0 : index
        %swap3A_536 = tpu.vector_load %swap3A_534[%swap3A_535] {strides = array<i32>} : memref<64xf32, #tpu.memory_space<vmem>>, vector<16xf32>,
        %swap3A_537 = vector.shape_cast %swap3A_536 : vector<16xf32> to vector<16xf32>
        %swap3A_538 = vector.shape_cast %mul3A_531 : vector<16xf32> to vector<16xf32>
        tpu.vector_store %swap3A_534[%swap3A_535], %swap3A_538 {strides = array<i32>} : memref<64xf32, #tpu.memory_space<vmem>>, vector<16xf32>,
        %get3A_539 = arith.constant 0 : i32
        %get3A_540 = tpu.memref_slice %arg7[%add3A_520, %get3A_539] : memref<200x64xf32, #tpu.memory_space<vmem>> -> memref<1x64xf32, #tpu.memory_space<vmem>>
        %get3A_541 = tpu.memref_squeeze %get3A_540 : memref<1x64xf32, #tpu.memory_space<vmem>> -> memref<64xf32, #tpu.memory_space<vmem>>
        %get3A_542 = arith.constant 16 : index
        %get3A_543 = tpu.vector_load %get3A_541[%get3A_542] {strides = array<i32>} : memref<64xf32, #tpu.memory_space<vmem>>, vector<16xf32>,
        %get3A_544 = vector.shape_cast %get3A_543 : vector<16xf32> to vector<16xf32>
        %mul3A_545 = arith.constant 1.250000e-01 : f32
        %mul3A_546 = vector.broadcast %mul3A_545 : f32 to vector<16xf32>
        %mul3A_547 = arith.mulf %get3A_544, %mul3A_546 : vector<16xf32>
        %swap3A_548 = arith.constant 0 : i32
        %swap3A_549 = tpu.memref_slice %arg9[%add3A_522, %swap3A_548] : memref<200x64xf32, #tpu.memory_space<vmem>> -> memref<1x64xf32, #tpu.memory_space<vmem>>
        %swap3A_550 = tpu.memref_squeeze %swap3A_549 : memref<1x64xf32, #tpu.memory_space<vmem>> -> memref<64xf32, #tpu.memory_space<vmem>>
        %swap3A_551 = arith.constant 16 : index
        %swap3A_552 = tpu.vector_load %swap3A_550[%swap3A_551] {strides = array<i32>} : memref<64xf32, #tpu.memory_space<vmem>>, vector<16xf32>,
        %swap3A_553 = vector.shape_cast %swap3A_552 : vector<16xf32> to vector<16xf32>
        %swap3A_554 = vector.shape_cast %mul3A_547 : vector<16xf32> to vector<16xf32>
        tpu.vector_store %swap3A_550[%swap3A_551], %swap3A_554 {strides = array<i32>} : memref<64xf32, #tpu.memory_space<vmem>>, vector<16xf32>,
        %get3A_555 = arith.constant 0 : i32
        %get3A_556 = tpu.memref_slice %arg7[%add3A_520, %get3A_555] : memref<200x64xf32, #tpu.memory_space<vmem>> -> memref<1x64xf32, #tpu.memory_space<vmem>>
        %get3A_557 = tpu.memref_squeeze %get3A_556 : memref<1x64xf32, #tpu.memory_space<vmem>> -> memref<64xf32, #tpu.memory_space<vmem>>
        %get3A_558 = arith.constant 32 : index
        %get3A_559 = tpu.vector_load %get3A_557[%get3A_558] {strides = array<i32>} : memref<64xf32, #tpu.memory_space<vmem>>, vector<16xf32>,
        %get3A_560 = vector.shape_cast %get3A_559 : vector<16xf32> to vector<16xf32>
        %mul3A_561 = arith.constant 1.250000e-01 : f32
        %mul3A_562 = vector.broadcast %mul3A_561 : f32 to vector<16xf32>
        %mul3A_563 = arith.mulf %get3A_560, %mul3A_562 : vector<16xf32>
        %swap3A_564 = arith.constant 0 : i32
        %swap3A_565 = tpu.memref_slice %arg9[%add3A_522, %swap3A_564] : memref<200x64xf32, #tpu.memory_space<vmem>> -> memref<1x64xf32, #tpu.memory_space<vmem>>
        %swap3A_566 = tpu.memref_squeeze %swap3A_565 : memref<1x64xf32, #tpu.memory_space<vmem>> -> memref<64xf32, #tpu.memory_space<vmem>>
        %swap3A_567 = arith.constant 32 : index
        %swap3A_568 = tpu.vector_load %swap3A_566[%swap3A_567] {strides = array<i32>} : memref<64xf32, #tpu.memory_space<vmem>>, vector<16xf32>,
        %swap3A_569 = vector.shape_cast %swap3A_568 : vector<16xf32> to vector<16xf32>
        %swap3A_570 = vector.shape_cast %mul3A_563 : vector<16xf32> to vector<16xf32>
        tpu.vector_store %swap3A_566[%swap3A_567], %swap3A_570 {strides = array<i32>} : memref<64xf32, #tpu.memory_space<vmem>>, vector<16xf32>,
        %get3A_571 = arith.constant 0 : i32
        %get3A_572 = tpu.memref_slice %arg7[%add3A_520, %get3A_571] : memref<200x64xf32, #tpu.memory_space<vmem>> -> memref<1x64xf32, #tpu.memory_space<vmem>>
        %get3A_573 = tpu.memref_squeeze %get3A_572 : memref<1x64xf32, #tpu.memory_space<vmem>> -> memref<64xf32, #tpu.memory_space<vmem>>
        %get3A_574 = arith.constant 48 : index
        %get3A_575 = tpu.vector_load %get3A_573[%get3A_574] {strides = array<i32>} : memref<64xf32, #tpu.memory_space<vmem>>, vector<16xf32>,
        %get3A_576 = vector.shape_cast %get3A_575 : vector<16xf32> to vector<16xf32>
        %mul3A_577 = arith.constant 1.250000e-01 : f32
        %mul3A_578 = vector.broadcast %mul3A_577 : f32 to vector<16xf32>
        %mul3A_579 = arith.mulf %get3A_576, %mul3A_578 : vector<16xf32>
        %swap3A_580 = arith.constant 0 : i32
        %swap3A_581 = tpu.memref_slice %arg9[%add3A_522, %swap3A_580] : memref<200x64xf32, #tpu.memory_space<vmem>> -> memref<1x64xf32, #tpu.memory_space<vmem>>
        %swap3A_582 = tpu.memref_squeeze %swap3A_581 : memref<1x64xf32, #tpu.memory_space<vmem>> -> memref<64xf32, #tpu.memory_space<vmem>>
        %swap3A_583 = arith.constant 48 : index
        %swap3A_584 = tpu.vector_load %swap3A_582[%swap3A_583] {strides = array<i32>} : memref<64xf32, #tpu.memory_space<vmem>>, vector<16xf32>,
        %swap3A_585 = vector.shape_cast %swap3A_584 : vector<16xf32> to vector<16xf32>
        %swap3A_586 = vector.shape_cast %mul3A_579 : vector<16xf32> to vector<16xf32>
        tpu.vector_store %swap3A_582[%swap3A_583], %swap3A_586 {strides = array<i32>} : memref<64xf32, #tpu.memory_space<vmem>>, vector<16xf32>,
        %add3A_587 = arith.constant 7 : i32
        %add3A_588 = arith.addi %add3A_112, %add3A_587 : i32
        %add3A_589 = arith.constant 7 : i32
        %add3A_590 = arith.addi %add3A_112, %add3A_589 : i32
        %get3A_591 = arith.constant 0 : i32
        %get3A_592 = tpu.memref_slice %arg7[%add3A_588, %get3A_591] : memref<200x64xf32, #tpu.memory_space<vmem>> -> memref<1x64xf32, #tpu.memory_space<vmem>>
        %get3A_593 = tpu.memref_squeeze %get3A_592 : memref<1x64xf32, #tpu.memory_space<vmem>> -> memref<64xf32, #tpu.memory_space<vmem>>
        %get3A_594 = arith.constant 0 : index
        %get3A_595 = tpu.vector_load %get3A_593[%get3A_594] {strides = array<i32>} : memref<64xf32, #tpu.memory_space<vmem>>, vector<16xf32>,
        %get3A_596 = vector.shape_cast %get3A_595 : vector<16xf32> to vector<16xf32>
        %mul3A_597 = arith.constant 1.250000e-01 : f32
        %mul3A_598 = vector.broadcast %mul3A_597 : f32 to vector<16xf32>
        %mul3A_599 = arith.mulf %get3A_596, %mul3A_598 : vector<16xf32>
        %swap3A_600 = arith.constant 0 : i32
        %swap3A_601 = tpu.memref_slice %arg9[%add3A_590, %swap3A_600] : memref<200x64xf32, #tpu.memory_space<vmem>> -> memref<1x64xf32, #tpu.memory_space<vmem>>
        %swap3A_602 = tpu.memref_squeeze %swap3A_601 : memref<1x64xf32, #tpu.memory_space<vmem>> -> memref<64xf32, #tpu.memory_space<vmem>>
        %swap3A_603 = arith.constant 0 : index
        %swap3A_604 = tpu.vector_load %swap3A_602[%swap3A_603] {strides = array<i32>} : memref<64xf32, #tpu.memory_space<vmem>>, vector<16xf32>,
        %swap3A_605 = vector.shape_cast %swap3A_604 : vector<16xf32> to vector<16xf32>
        %swap3A_606 = vector.shape_cast %mul3A_599 : vector<16xf32> to vector<16xf32>
        tpu.vector_store %swap3A_602[%swap3A_603], %swap3A_606 {strides = array<i32>} : memref<64xf32, #tpu.memory_space<vmem>>, vector<16xf32>,
        %get3A_607 = arith.constant 0 : i32
        %get3A_608 = tpu.memref_slice %arg7[%add3A_588, %get3A_607] : memref<200x64xf32, #tpu.memory_space<vmem>> -> memref<1x64xf32, #tpu.memory_space<vmem>>
        %get3A_609 = tpu.memref_squeeze %get3A_608 : memref<1x64xf32, #tpu.memory_space<vmem>> -> memref<64xf32, #tpu.memory_space<vmem>>
        %get3A_610 = arith.constant 16 : index
        %get3A_611 = tpu.vector_load %get3A_609[%get3A_610] {strides = array<i32>} : memref<64xf32, #tpu.memory_space<vmem>>, vector<16xf32>,
        %get3A_612 = vector.shape_cast %get3A_611 : vector<16xf32> to vector<16xf32>
        %mul3A_613 = arith.constant 1.250000e-01 : f32
        %mul3A_614 = vector.broadcast %mul3A_613 : f32 to vector<16xf32>
        %mul3A_615 = arith.mulf %get3A_612, %mul3A_614 : vector<16xf32>
        %swap3A_616 = arith.constant 0 : i32
        %swap3A_617 = tpu.memref_slice %arg9[%add3A_590, %swap3A_616] : memref<200x64xf32, #tpu.memory_space<vmem>> -> memref<1x64xf32, #tpu.memory_space<vmem>>
        %swap3A_618 = tpu.memref_squeeze %swap3A_617 : memref<1x64xf32, #tpu.memory_space<vmem>> -> memref<64xf32, #tpu.memory_space<vmem>>
        %swap3A_619 = arith.constant 16 : index
        %swap3A_620 = tpu.vector_load %swap3A_618[%swap3A_619] {strides = array<i32>} : memref<64xf32, #tpu.memory_space<vmem>>, vector<16xf32>,
        %swap3A_621 = vector.shape_cast %swap3A_620 : vector<16xf32> to vector<16xf32>
        %swap3A_622 = vector.shape_cast %mul3A_615 : vector<16xf32> to vector<16xf32>
        tpu.vector_store %swap3A_618[%swap3A_619], %swap3A_622 {strides = array<i32>} : memref<64xf32, #tpu.memory_space<vmem>>, vector<16xf32>,
        %get3A_623 = arith.constant 0 : i32
        %get3A_624 = tpu.memref_slice %arg7[%add3A_588, %get3A_623] : memref<200x64xf32, #tpu.memory_space<vmem>> -> memref<1x64xf32, #tpu.memory_space<vmem>>
        %get3A_625 = tpu.memref_squeeze %get3A_624 : memref<1x64xf32, #tpu.memory_space<vmem>> -> memref<64xf32, #tpu.memory_space<vmem>>
        %get3A_626 = arith.constant 32 : index
        %get3A_627 = tpu.vector_load %get3A_625[%get3A_626] {strides = array<i32>} : memref<64xf32, #tpu.memory_space<vmem>>, vector<16xf32>,
        %get3A_628 = vector.shape_cast %get3A_627 : vector<16xf32> to vector<16xf32>
        %mul3A_629 = arith.constant 1.250000e-01 : f32
        %mul3A_630 = vector.broadcast %mul3A_629 : f32 to vector<16xf32>
        %mul3A_631 = arith.mulf %get3A_628, %mul3A_630 : vector<16xf32>
        %swap3A_632 = arith.constant 0 : i32
        %swap3A_633 = tpu.memref_slice %arg9[%add3A_590, %swap3A_632] : memref<200x64xf32, #tpu.memory_space<vmem>> -> memref<1x64xf32, #tpu.memory_space<vmem>>
        %swap3A_634 = tpu.memref_squeeze %swap3A_633 : memref<1x64xf32, #tpu.memory_space<vmem>> -> memref<64xf32, #tpu.memory_space<vmem>>
        %swap3A_635 = arith.constant 32 : index
        %swap3A_636 = tpu.vector_load %swap3A_634[%swap3A_635] {strides = array<i32>} : memref<64xf32, #tpu.memory_space<vmem>>, vector<16xf32>,
        %swap3A_637 = vector.shape_cast %swap3A_636 : vector<16xf32> to vector<16xf32>
        %swap3A_638 = vector.shape_cast %mul3A_631 : vector<16xf32> to vector<16xf32>
        tpu.vector_store %swap3A_634[%swap3A_635], %swap3A_638 {strides = array<i32>} : memref<64xf32, #tpu.memory_space<vmem>>, vector<16xf32>,
        %get3A_639 = arith.constant 0 : i32
        %get3A_640 = tpu.memref_slice %arg7[%add3A_588, %get3A_639] : memref<200x64xf32, #tpu.memory_space<vmem>> -> memref<1x64xf32, #tpu.memory_space<vmem>>
        %get3A_641 = tpu.memref_squeeze %get3A_640 : memref<1x64xf32, #tpu.memory_space<vmem>> -> memref<64xf32, #tpu.memory_space<vmem>>
        %get3A_642 = arith.constant 48 : index
        %get3A_643 = tpu.vector_load %get3A_641[%get3A_642] {strides = array<i32>} : memref<64xf32, #tpu.memory_space<vmem>>, vector<16xf32>,
        %get3A_644 = vector.shape_cast %get3A_643 : vector<16xf32> to vector<16xf32>
        %mul3A_645 = arith.constant 1.250000e-01 : f32
        %mul3A_646 = vector.broadcast %mul3A_645 : f32 to vector<16xf32>
        %mul3A_647 = arith.mulf %get3A_644, %mul3A_646 : vector<16xf32>
        %swap3A_648 = arith.constant 0 : i32
        %swap3A_649 = tpu.memref_slice %arg9[%add3A_590, %swap3A_648] : memref<200x64xf32, #tpu.memory_space<vmem>> -> memref<1x64xf32, #tpu.memory_space<vmem>>
        %swap3A_650 = tpu.memref_squeeze %swap3A_649 : memref<1x64xf32, #tpu.memory_space<vmem>> -> memref<64xf32, #tpu.memory_space<vmem>>
        %swap3A_651 = arith.constant 48 : index
        %swap3A_652 = tpu.vector_load %swap3A_650[%swap3A_651] {strides = array<i32>} : memref<64xf32, #tpu.memory_space<vmem>>, vector<16xf32>,
        %swap3A_653 = vector.shape_cast %swap3A_652 : vector<16xf32> to vector<16xf32>
        %swap3A_654 = vector.shape_cast %mul3A_647 : vector<16xf32> to vector<16xf32>
        tpu.vector_store %swap3A_650[%swap3A_651], %swap3A_654 {strides = array<i32>} : memref<64xf32, #tpu.memory_space<vmem>>, vector<16xf32>,
      }
      %scan3A_91 = arith.constant 25 : i32
      %add3A_92 = arith.addi %mul3A_2, %add3A_75 : i32
      %dma_start3A_93 = arith.constant 0 : i32
      %dma_start3A_94 = arith.constant 0 : i32
      %dma_start3A_95 = tpu.memref_slice %arg4[%add3A_92, %dma_start3A_93, %dma_start3A_94] : memref<4096x200x128xf32, #tpu.memory_space<hbm>> -> memref<1x200x64xf32, #tpu.memory_space<hbm>>
      %dma_start3A_96 = tpu.memref_squeeze %dma_start3A_95 : memref<1x200x64xf32, #tpu.memory_space<hbm>> -> memref<200x64xf32, #tpu.memory_space<hbm>>
      %dma_start3A_97 = arith.constant 0 : i32
      %dma_start3A_98 = arith.constant 0 : i32
      %dma_start3A_99 = tpu.memref_slice %arg4[%add3A_92, %dma_start3A_97, %dma_start3A_98] : memref<4096x200x128xf32, #tpu.memory_space<hbm>> -> memref<1x200x64xf32, #tpu.memory_space<hbm>>
      %dma_start3A_100 = tpu.memref_squeeze %dma_start3A_99 : memref<1x200x64xf32, #tpu.memory_space<hbm>> -> memref<200x64xf32, #tpu.memory_space<hbm>>
      tpu.enqueue_dma source(%arg9 : memref<200x64xf32, #tpu.memory_space<vmem>>) target(%dma_start3A_100 : memref<200x64xf32, #tpu.memory_space<hbm>>) target_semaphore(%arg13 : memref<!tpu.dma_semaphore, #tpu.memory_space<semaphore_mem>>)
      %add3A_101 = arith.constant 2 : i32
      %add3A_102 = arith.addi %add3A_75, %add3A_101 : i32
      %lt3A_103 = arith.constant 128 : i32
      %lt3A_104 = arith.cmpi slt, %add3A_102, %lt3A_103 : i32
      %convert_element_type3A_105 = arith.extui %lt3A_104 : i1 to i32
      %cond3A_106 = arith.constant 0 : i32
      %cond3A_107 = arith.cmpi ne, %convert_element_type3A_105, %cond3A_106 : i32
      scf.if %cond3A_107 {
        %add3A_108 = arith.constant 2 : i32
        %add3A_109 = arith.addi %add3A_75, %add3A_108 : i32
        %dma_start3A_110 = arith.constant 0 : i32
        %dma_start3A_111 = tpu.memref_slice %arg5[%add3A_109, %dma_start3A_110] : memref<128x200xi32, #tpu.memory_space<vmem>> -> memref<1x200xi32, #tpu.memory_space<vmem>>
        %dma_start3A_112 = tpu.memref_squeeze %dma_start3A_111 : memref<1x200xi32, #tpu.memory_space<vmem>> -> memref<200xi32, #tpu.memory_space<vmem>>
        %dma_start3A_113 = arith.constant 0 : i32
        %dma_start3A_114 = arith.constant 0 : i32
        %dma_start3A_115 = tpu.memref_slice %arg2[%dma_start3A_113, %dma_start3A_114] : memref<1000000x64xf32, #tpu.memory_space<hbm>> -> memref<1000000x64xf32, #tpu.memory_space<hbm>>
        tpu.enqueue_indirect_dma source(%dma_start3A_115 : memref<1000000x64xf32, #tpu.memory_space<hbm>>) target(%arg7 : memref<200x64xf32, #tpu.memory_space<vmem>>) offsets(%dma_start3A_112 : memref<200xi32, #tpu.memory_space<vmem>>) semaphore(%arg11 : memref<!tpu.dma_semaphore, #tpu.memory_space<semaphore_mem>>)
      } else {
      }
    }
    %scan3A_19 = arith.constant 64 : i32
    %add3A_20 = arith.constant 126 : i32
    %add3A_21 = arith.addi %mul3A_2, %add3A_20 : i32
    %dma_wait3A = arith.constant 0 : i32
    %dma_wait3A_22 = arith.constant 0 : i32
    %dma_wait3A_23 = tpu.memref_slice %arg4[%add3A_21, %dma_wait3A, %dma_wait3A_22] : memref<4096x200x128xf32, #tpu.memory_space<hbm>> -> memref<1x200x64xf32, #tpu.memory_space<hbm>>
    %dma_wait3A_24 = tpu.memref_squeeze %dma_wait3A_23 : memref<1x200x64xf32, #tpu.memory_space<hbm>> -> memref<200x64xf32, #tpu.memory_space<hbm>>
    %dma_wait3A_25 = arith.constant 0 : i32
    %dma_wait3A_26 = arith.constant 0 : i32
    %dma_wait3A_27 = tpu.memref_slice %arg4[%add3A_21, %dma_wait3A_25, %dma_wait3A_26] : memref<4096x200x128xf32, #tpu.memory_space<hbm>> -> memref<1x200x64xf32, #tpu.memory_space<hbm>>
    %dma_wait3A_28 = tpu.memref_squeeze %dma_wait3A_27 : memref<1x200x64xf32, #tpu.memory_space<hbm>> -> memref<200x64xf32, #tpu.memory_space<hbm>>
    tpu.wait_dma2 semaphore(%arg12 : memref<!tpu.dma_semaphore, #tpu.memory_space<semaphore_mem>>) src(%arg8 : memref<200x64xf32, #tpu.memory_space<vmem>>) dst(%dma_wait3A_28 : memref<200x64xf32, #tpu.memory_space<hbm>>)
    %add3A_29 = arith.constant 127 : i32
    %add3A_30 = arith.addi %mul3A_2, %add3A_29 : i32
    %dma_wait3A_31 = arith.constant 0 : i32
    %dma_wait3A_32 = arith.constant 0 : i32
    %dma_wait3A_33 = tpu.memref_slice %arg4[%add3A_30, %dma_wait3A_31, %dma_wait3A_32] : memref<4096x200x128xf32, #tpu.memory_space<hbm>> -> memref<1x200x64xf32, #tpu.memory_space<hbm>>
    %dma_wait3A_34 = tpu.memref_squeeze %dma_wait3A_33 : memref<1x200x64xf32, #tpu.memory_space<hbm>> -> memref<200x64xf32, #tpu.memory_space<hbm>>
    %dma_wait3A_35 = arith.constant 0 : i32
    %dma_wait3A_36 = arith.constant 0 : i32
    %dma_wait3A_37 = tpu.memref_slice %arg4[%add3A_30, %dma_wait3A_35, %dma_wait3A_36] : memref<4096x200x128xf32, #tpu.memory_space<hbm>> -> memref<1x200x64xf32, #tpu.memory_space<hbm>>
    %dma_wait3A_38 = tpu.memref_squeeze %dma_wait3A_37 : memref<1x200x64xf32, #tpu.memory_space<hbm>> -> memref<200x64xf32, #tpu.memory_space<hbm>>
    tpu.wait_dma2 semaphore(%arg13 : memref<!tpu.dma_semaphore, #tpu.memory_space<semaphore_mem>>) src(%arg9 : memref<200x64xf32, #tpu.memory_space<vmem>>) dst(%dma_wait3A_38 : memref<200x64xf32, #tpu.memory_space<hbm>>)
    return
  }
}

</mosaic_0001>

<sc_bundles>
// kernel: kernel.3.cloned.1.call-start
scs
__scs_entry_jumppad:
0x0: {  	(pc) =	sbr.rel $0x88, $3  }
0x1: {  	(tag) =	ssettag $0x0;
	lr =	simm.s32 $0x1  }
0x2: {  	[smem:$0x3F9F] =	sst lr;
	_ =	strace $0xD0000000  }
0x3: {  	_ = 	snop  }
0x4: {  	_ = 	snop  }
0x5: {  	_ = 	snop  }
0x6: {  	_ = 	snop  }
0x7: {  	_ = 	snop  }
__scs_overlays_trampoline_lowered:
0x8: {  	[smem:$0x3FAE] =	sst s0  }
0x9: {  	[smem:$0x3FAF] =	sst s1  }
0xa: {  	[smem:$0x3FB0] =	sst s2  }
0xb: {  	[smem:$0x3FB1] =	sst s3  }
0xc: {  	[smem:$0x3FB2] =	sst s4  }
0xd: {  	[smem:$0x3FB3] =	sst s5  }
0xe: {  	[smem:$0x3FB4] =	sst s6  }
0xf: {  	[smem:$0x3FB5] =	sst s7  }
0x10: {  	[smem:$0x3FB6] =	sst s8  }
0x11: {  	[smem:$0x3FB7] =	sst s9;
	s0 =	simm.s32 @!p0 $0x0  }
0x12: {  	s1 =	sld [smem:$0x3F9D];
	s0 =	simm.s32 @p0 $0x1  }
0x13: {  	[smem:$0x3FB8] =	sst s0;
	s0 =	simm.s32 @!p1 $0x0  }
0x14: {  	s2 =	sld [smem:$0x3F9C];
	s0 =	simm.s32 @p1 $0x1  }
0x15: {  	[smem:$0x3FB9] =	sst s0;
	s0 =	simm.s32 @!p2 $0x0  }
0x16: {  	s3 =	sld [smem:$0x3FDB];
	s0 =	simm.s32 @p2 $0x1  }
0x17: {  	s4 =	simm.s32 $0x1BF5;
	[smem:$0x3FBB] =	sst s0  }
0x18: {  	s0 =	sld [smem:$0x3F9E];
	_ =	swait.ge [sflag:s4], $0x0  }
0x19: {  	s7 =	sld [smem:$0x3F9F]  }
0x1a: {  	s8 =	sadd.s32 $0xFFFFE003, lr  }
0x1b: {  	s9 =	sadd.s32 $0xFFFFFEF7, lr;
	s5 =	simm.s32 $0xFFFFFFFF;
	p2 =	slt.u32 s8, $0xFFFFF086  }
0x1c: {  	p1 =	slt.u32 s9, $0xF7A;
	s5 =	simm.s32 @!p2 $0x0  }
0x1d: {  	s5 =	simm.s32 @p1 $0x1;
	p0 =	seq.s32 s7, s2  }
0x1e: {  	s7 =	smul.u32 @!p0 $0xF7A, s2;
	p2 =	seq.s32 @!p0 s5, $0x0  }
0x1f: {  	s9 =	smul.u32 $0xF7A, s1;
	s8 =	simm.s32 @!p0 $0x1BF5;
	p2 =	por !p2, p0  }
0x20: {  	[sflag:s8] =	ssyncset.s32 @!p0 $0xFFFFF086;
	s6 =	sadd.s32 @!p0 s3, s7;
	s7 =	simm.s32 @!p0 $0x108  }
0x21: {  	s3 =	sadd.s32 s3, s9;
	s6 =	sadd.s32 @!p0 $0x88, s6;
	s7 =	simm.s32 @p2 $0x1082  }
0x22: {  	[simem:s7], [sflag:s8] =	dma.local @!p0 [hbm:s6], $0xF7A  }
0x23: {  	s9 =	sor.u32 $0xD0000000, s2;
	s6 =	simm.s32 $0x108;
	_ =	swait.ge @!p0 [sflag:s8], $0x0  }
0x24: {  	s3 =	sadd.s32 $0x88, s3;
	s6 =	simm.s32 @!p1 $0x1082;
	[sflag:s4] =	ssyncset.s32 $0xFFFFF086  }
0x25: {  	[simem:s6], [sflag:s4] =	dma.local [hbm:s3], $0xF7A  }
0x26: {  	[smem:$0x3F9F] =	sst s1;
	(tag) =	ssettag s2;
	_ =	strace s9  }
0x27: {  	s1 =	sld [smem:$0x3FAF]  }
0x28: {  	s2 =	sld [smem:$0x3FB0]  }
0x29: {  	s4 =	sld [smem:$0x3FB2]  }
0x2a: {  	p0 =	seq.s32 s5, $0x0;
	s5 =	sld [smem:$0x3FB3]  }
0x2b: {  	s6 =	sld [smem:$0x3FB4]  }
0x2c: {  	s7 =	sld [smem:$0x3FB5]  }
0x2d: {  	s3 =	simm.s32 $0x108;
	s8 =	sld [smem:$0x3FB6]  }
0x2e: {  	s3 =	simm.s32 @!p0 $0x1082;
	s9 =	sld [smem:$0x3FB7]  }
0x2f: {  	lr =	sadd.s32 s0, s3;
	s0 =	sld [smem:$0x3FAE]  }
0x30: {  	s3 =	sld [smem:$0x3FB1]  }
0x31: {  	[smem:$0x3FBA] =	sst s10  }
0x32: {  	s10 =	sld [smem:$0x3FB8];
	_ =	sdelay $0x3  }
0x33: {  	p0 =	seq.s32 s10, $0x1;
	s10 =	sld [smem:$0x3FBA];
	_ =	sdelay $0x3  }
0x34: {  	[smem:$0x3FBA] =	sst s10  }
0x35: {  	s10 =	sld [smem:$0x3FB9];
	_ =	sdelay $0x3  }
0x36: {  	p1 =	seq.s32 s10, $0x1;
	s10 =	sld [smem:$0x3FBA];
	_ =	sdelay $0x3  }
0x37: {  	[smem:$0x3FBA] =	sst s10  }
0x38: {  	s10 =	sld [smem:$0x3FBB]  }
0x39: {  	_ = 	snop;
	(pc) =	sbr.ind lr, $3  }
0x3a: {  	_ = 	snop  }
0x3b: {  	_ = 	snop  }
0x3c: {  	p2 =	seq.s32 s10, $0x1;
	s10 =	sld [smem:$0x3FBA]  }
0x3d: {  	_ =	shalt  }
0x3e: {  	_ =	shalt  }
0x3f: {  	_ =	shalt  }
0x40: {  	_ =	shalt  }
0x41: {  	_ =	shalt  }
0x42: {  	_ =	shalt  }
0x43: {  	_ =	shalt  }
0x44: {  	_ =	shalt  }
0x45: {  	_ =	shalt  }
0x46: {  	_ =	shalt  }
0x47: {  	_ =	shalt  }
0x48: {  	_ =	shalt  }
0x49: {  	_ =	shalt  }
0x4a: {  	_ =	shalt  }
0x4b: {  	_ =	shalt  }
0x4c: {  	_ =	shalt  }
0x4d: {  	_ =	shalt  }
0x4e: {  	_ =	shalt  }
0x4f: {  	_ =	shalt  }
0x50: {  	_ =	shalt  }
0x51: {  	_ =	shalt  }
0x52: {  	_ =	shalt  }
0x53: {  	_ =	shalt  }
0x54: {  	_ =	shalt  }
0x55: {  	_ =	shalt  }
0x56: {  	_ =	shalt  }
0x57: {  	_ =	shalt  }
0x58: {  	_ =	shalt  }
0x59: {  	_ =	shalt  }
0x5a: {  	_ =	shalt  }
0x5b: {  	_ =	shalt  }
0x5c: {  	_ =	shalt  }
0x5d: {  	_ =	shalt  }
0x5e: {  	_ =	shalt  }
0x5f: {  	_ =	shalt  }
0x60: {  	_ =	shalt  }
0x61: {  	_ =	shalt  }
0x62: {  	_ =	shalt  }
0x63: {  	_ =	shalt  }
0x64: {  	_ =	shalt  }
0x65: {  	_ =	shalt  }
0x66: {  	_ =	shalt  }
0x67: {  	_ =	shalt  }
0x68: {  	_ =	shalt  }
0x69: {  	_ =	shalt  }
0x6a: {  	_ =	shalt  }
0x6b: {  	_ =	shalt  }
0x6c: {  	_ =	shalt  }
0x6d: {  	_ =	shalt  }
0x6e: {  	_ =	shalt  }
0x6f: {  	_ =	shalt  }
0x70: {  	_ =	shalt  }
0x71: {  	_ =	shalt  }
0x72: {  	_ =	shalt  }
0x73: {  	_ =	shalt  }
0x74: {  	_ =	shalt  }
0x75: {  	_ =	shalt  }
0x76: {  	_ =	shalt  }
0x77: {  	_ =	shalt  }
0x78: {  	_ =	shalt  }
0x79: {  	_ =	shalt  }
0x7a: {  	_ =	shalt  }
0x7b: {  	_ =	shalt  }
0x7c: {  	_ =	shalt  }
0x7d: {  	_ =	shalt  }
0x7e: {  	_ =	shalt  }
0x7f: {  	_ =	shalt  }
0x80: {  	_ =	shalt  }
0x81: {  	_ =	shalt  }
0x82: {  	_ =	shalt  }
0x83: {  	_ =	shalt  }
0x84: {  	_ =	shalt  }
0x85: {  	_ =	shalt  }
0x86: {  	_ =	shalt  }
0x87: {  	_ =	shalt  }
.Lfunc_end0:
.L_simem_size_0:
called_computation.1_lowered:
.L_overlay_start_0:
0x88: {  	s2 =	sld [smem:$0x3FD9]  }
0x89: {  	s3 =	sld [smem:$0x3FFE];
	_ =	sdelay $0x1  }
0x8a: {  	s1 =	srdreg.scid  }
0x8b: {  	s0 =	sand.u32 $0x1, s1  }
0x8c: {  	s17 =	sshll.u32 s0, $0xA;
	s2 =	sadd.s32 s3, s2  }
0x8d: {  	s2 =	sadd.s32 s2, s17  }
0x8e: {  	[smem:$0x3FC6] =	sst s2  }
0x8f: {  	_ = 	snop  }
0x90: {  	s2 =	sld [smem:$0x3FD0];
	(tm) =	ssettm $0x1  }
0x91: {  	s18 =	sld [smem:$0x3FFB];
	_ =	sdelay $0x3  }
0x92: {  	_ =	strace s18  }
0x93: {  	s3 =	sld [smem:$0x3FFC];
	_ =	sdelay $0x3  }
0x94: {  	_ =	strace s3  }
0x95: {  	s3 =	sld [smem:$0x3FFD];
	_ =	sdelay $0x3  }
0x96: {  	_ =	strace s3  }
0x97: {  	_ =	strace $0x8FFFFFFF  }
0x98: {  	s19 =	sld [smem:$0x3FDB];
	_ =	sdelay $0x1  }
0x99: {  	s4 =	simm.s32 $_scs_section_size  }
0x9a: {  	s5 =	simm.s32 $_size__tile_overlayer_lowered;
	s6 =	simm.s32 $_tile_overlayer_lowered  }
0x9b: {  	s22 =	simm.s32 $0x1BFF;
	s21 =	sshll.u32 s6, $0x1;
	s3 =	sadd.s32 s4, s19  }
0x9c: {  	s7 =	simm.s32 $0x0;
	s20 =	sshll.u32 s5, $0x1;
	s5 =	sadd.s32 s21, s3  }
0x9d: {  	[timem:s7], [sflag:s22] =	dma.local [hbm:s5], s20  }
0x9e: {  	_ =	swait.ge [sflag:s22], s20  }
0x9f: {  	s4 =	ssub.s32 $0x0, s20;
	[sflag:s22] =	ssyncset.done $0x0  }
0xa0: {  	[sflag:s22] =	ssyncadd.s32 s4;
	_ =	sdelay $0x1  }
0xa1: {  	s23 =	simm.s32 $0x1B8B  }
0xa2: {  	_ =	swait.ge [sflag:s23], $0x1  }
0xa3: {  	[sflag:s23] =	ssyncset.done $0x0  }
0xa4: {  	s25 =	simm.s32 $0x1B8E;
	s24 =	sld [smem:$0x3FFE];
	[sflag:s23] =	ssyncadd.s32 $0xFFFFFFFF  }
0xa5: {  	s26 =	simm.s32 $execute0_lowered;
	[smem:$0x3FD2] =	sst s25  }
0xa6: {  	s5 =	sshll.u32 s26, $0x1;
	_ =	strace $0x80000046;
	[dreg:$0x1] =	wrdreg $0xFFFFFFFF  }
0xa7: {  	s28 =	simm.s32 $_size_execute0_lowered;
	s3 =	sadd.s32 s3, s5;
	[dreg:$0x0] =	wrdreg $0x0  }
0xa8: {  	s5 =	sshll.u32 s28, $0x1;
	[dreg:$0x2] =	wrdreg s3  }
0xa9: {  	[dreg:$0x3] =	wrdreg s5  }
0xaa: {  	[dreg:$0x4] =	wrdreg $0xC0  }
0xab: {  	_ =	task [dreg:s7], $0x5FFFF  }
0xac: {  	[dreg:$0x1] =	wrdreg $0xFFFFFFFF  }
0xad: {  	[dreg:$0x0] =	wrdreg $0x60  }
0xae: {  	[dreg:$0x2] =	wrdreg s24  }
0xaf: {  	[dreg:$0x3] =	wrdreg s2  }
0xb0: {  	[dreg:$0x4] =	wrdreg $0x9  }
0xb1: {  	_ =	task.clear_ibuf [dreg:s7], $0x5FFFF;
	_ =	strace $0x90000046  }
0xb2: {  	s29 =	simm.s32 $0x9;
	_ =	strace $0x80000048  }
0xb3: {  	_ =	swait.ge [sflag:s29], $0x1  }
0xb4: {  	[sflag:s29] =	ssyncadd.s32 $0xFFFFFFFF  }
0xb5: {  	_ =	strace $0x90000048  }
0xb6: {  	_ =	sfence  }
0xb7: {  	s30 =	sld [smem:$0x0];
	_ =	sdelay $0x2  }
0xb8: {  	s31 =	sshll.u32 s1, $0xD;
	s1 =	sshrl.u32 s1, $0x2  }
0xb9: {  	s3 =	sand.u32 $0x4000, s31;
	s1 =	sadd.s32 s1, s30  }
0xba: {  	s0 =	sor.u32 s3, s0;
	s1 =	sshll.u32 s1, $0x11  }
0xbb: {  	s0 =	sor.u32 s1, s0  }
0xbc: {  	s0 =	sadd.s32 $0x8F2B, s0  }
0xbd: {  	[sflag:s0] =	ssyncadd.remote.s32 $0x1  }
0xbe: {  	_ =	sfence.sel $0xFFFF  }
0xbf: {  	[dreg:$0x0] =	wrdreg $0xFFFFFFFF;
	(pc) =	sbr.abs _section_cstart, $3  }
0xc0: {  	[dreg:$0x1] =	wrdreg $0xFFFFFFFF  }
0xc1: {  	_ =	task.clear_ibuf [dreg:s7], $0x2FFFF;
	_ =	strace $0x9FFFFFFF  }
0xc2: {  	(tm) =	ssettm $0x7FFFFFFF  }
0xc3: {  	_ =	shalt  }
tec
execute0_lowered:
.L_overlay_start_1:
0x0: {  	(tag) =	ssettag $0x1  }
0x1: {  	s5 =	rddreg [dreg:$0x0]  }
0x2: {  	s6 =	rddreg [dreg:$0x1]  }
0x3: {  	s2 =	srdreg.scid;
	s0 =	rddreg [dreg:$0x2]  }
0x4: {  	s1 =	stileid.u32;
	s10 =	simm.s32 $0x6400;
	s11 =	simm.s32 $0x9600  }
0x5: {  	s12 =	simm.s32 $0x1;
	s13 =	simm.s32 $0x40;
	s14 =	simm.s32 $0x80  }
0x6: {  	s15 =	simm.s32 $0xC800;
	s16 =	simm.s32 $0x2;
	s17 =	simm.s32 $0xFA00  }
0x7: {  	s18 =	simm.s32 $0x3;
	s19 =	simm.s32 $0x4;
	s20 =	simm.s32 $0x0  }
0x8: {  	s3 =	sand.u32 $0x1, s2;
	s2 =	simm.s32 $0x0;
	s4 =	sshll.u32 s1, $0x8  }
.Ltmp0:
0x9: {  	s7 =	sshll.u32 s3, $0x7;
	[smem:$0x7FF] =	sst s2;
	(pc) =	sbr.rel .LBB2_1-.Ltmp0, $4  }
0xa: {  	s8 =	ssub.s32 $0x2, s3;
	s3 =	sor.u32 s7, s4;
	_ =	strace $0x80000047  }
0xb: {  	s31 =	sshrl.u32 s8, $0x1;
	s4 =	sadd.s32 $0xF42E00, s5;
	s9 =	smul.u32 $0x19, s3  }
0xc: {  	s5 =	sadd.s32 $0xA00, s5;
	s7 =	ssub.s32 s8, s31;
	s8 =	simm.s32 $0x5  }
0xd: {  	s7 =	smax.u32 s7, $0x1;
	s6 =	sadd.s32 s6, s9;
	s9 =	simm.s32 $0xC8  }
.LBB2_8:
0xe: {  	s20 =	sadd.s32 $0x1, s20  }
0xf: {  	_ =	swait.ge [sflag:s18], $0x3200;
	p0 =	sne.s32 s20, s7  }
.Ltmp1:
0x10: {  	[sflag:s18] =	ssyncset.done $0x0;
	(pc) =	sbr.rel @!p0 .LBB2_9-.Ltmp1, $4  }
0x11: {  	[sflag:s18] =	ssyncadd.s32 $0xFFFFCE00  }
0x12: {  	_ =	swait.ge [sflag:s19], $0x3200  }
0x13: {  	[sflag:s19] =	ssyncset.done $0x0  }
0x14: {  	[sflag:s19] =	ssyncadd.s32 $0xFFFFCE00  }
.LBB2_1:
0x15: {  	[tilespmem:s2], [sflag:$0x5] =	stream.linear.gather [hbm4b:s6+s2], $0x6400, $0x38;
	[tilespmem:$0x12C00] =	vst v63  }
0x16: {  	_ =	swait.ge [sflag:s8], $0x6400  }
0x17: {  	[sflag:s8] =	ssyncset.done $0x0  }
0x18: {  	[sflag:s8] =	ssyncadd.s32 $0xFFFF9C00  }
0x19: {  	[tilespmem:s10], [sflag:$0x1] =	stream.indirect.gather [hbm4b:s4+s9], $0x40, s2, s9, $0xb8;
	[tilespmem:$0x12C00] =	vst v63  }
0x1a: {  	s21 =	simm.s32 $0x0  }
0x1b: {  	[tilespmem:s11], [sflag:$0x2] =	stream.indirect.gather [hbm4b:s4+s9], $0x40, s9, s9, $0xb8;
	[tilespmem:$0x12C00] =	vst v63  }
.LBB2_2:
0x1c: {  	_ =	swait.ge [sflag:s12], $0x3200  }
0x1d: {  	p0 =	seq.s32 s21, $0x0;
	[sflag:s12] =	ssyncset.done $0x0  }
0x1e: {  	s22 =	simm.s32 @!p0 $0x3;
	[sflag:s12] =	ssyncadd.s32 $0xFFFFCE00  }
0x1f: {  	_ =	swait.ge @!p0 [sflag:s22], $0x3200  }
0x20: {  	[sflag:s22] =	ssyncset.done @!p0 $0x0  }
0x21: {  	s23 =	simm.s32 $0x0;
	[sflag:s22] =	ssyncadd.s32 @!p0 $0xFFFFCE00  }
0x22: {  	v0 =	vld [tilespmem:s23+$0x65F0]  }
0x23: {  	v1 =	vld [tilespmem:s23+$0x6400];
	_ =	sdelay $0x1  }
0x24: {  	v2 =	vld [tilespmem:s23+$0x6410]  }
0x25: {  	v3 =	vld [tilespmem:s23+$0x6420]  }
0x26: {  	v4 =	vld [tilespmem:s23+$0x6430];
	v0 =	vmul.f32 $1.250000000e-01, v0  }
0x27: {  	v5 =	vld [tilespmem:s23+$0x6440];
	v1 =	vmul.f32 $1.250000000e-01, v1  }
0x28: {  	v6 =	vld [tilespmem:s23+$0x6450];
	[tilespmem:s23+$0xC9F0] =	vst v0  }
0x29: {  	v0 =	vmul.f32 $1.250000000e-01, v2;
	[tilespmem:s23+$0xC800] =	vst v1;
	v1 =	vld [tilespmem:s23+$0x6470]  }
0x2a: {  	v7 =	vld [tilespmem:s23+$0x6460];
	v2 =	vmul.f32 $1.250000000e-01, v3  }
0x2b: {  	v3 =	vmul.f32 $1.250000000e-01, v4;
	[tilespmem:s23+$0xC810] =	vst v0;
	v0 =	vld [tilespmem:s23+$0x6480]  }
0x2c: {  	v4 =	vmul.f32 $1.250000000e-01, v5;
	[tilespmem:s23+$0xC820] =	vst v2;
	v2 =	vld [tilespmem:s23+$0x6490]  }
0x2d: {  	v5 =	vmul.f32 $1.250000000e-01, v6;
	[tilespmem:s23+$0xC830] =	vst v3;
	v3 =	vld [tilespmem:s23+$0x64A0]  }
0x2e: {  	[tilespmem:s23+$0xC840] =	vst v4;
	v4 =	vld [tilespmem:s23+$0x64B0];
	v1 =	vmul.f32 $1.250000000e-01, v1  }
0x2f: {  	v6 =	vmul.f32 $1.250000000e-01, v7;
	[tilespmem:s23+$0xC850] =	vst v5;
	v5 =	vld [tilespmem:s23+$0x64C0]  }
0x30: {  	v0 =	vmul.f32 $1.250000000e-01, v0;
	[tilespmem:s23+$0xC870] =	vst v1;
	v1 =	vld [tilespmem:s23+$0x64E0]  }
0x31: {  	[tilespmem:s23+$0xC860] =	vst v6;
	v6 =	vld [tilespmem:s23+$0x64D0];
	v2 =	vmul.f32 $1.250000000e-01, v2  }
0x32: {  	v3 =	vmul.f32 $1.250000000e-01, v3;
	[tilespmem:s23+$0xC880] =	vst v0;
	v0 =	vld [tilespmem:s23+$0x64F0]  }
0x33: {  	v4 =	vmul.f32 $1.250000000e-01, v4;
	[tilespmem:s23+$0xC890] =	vst v2;
	v2 =	vld [tilespmem:s23+$0x6500]  }
0x34: {  	v5 =	vmul.f32 $1.250000000e-01, v5;
	[tilespmem:s23+$0xC8A0] =	vst v3;
	v3 =	vld [tilespmem:s23+$0x6510]  }
0x35: {  	[tilespmem:s23+$0xC8B0] =	vst v4;
	v4 =	vld [tilespmem:s23+$0x6520];
	v1 =	vmul.f32 $1.250000000e-01, v1  }
0x36: {  	v6 =	vmul.f32 $1.250000000e-01, v6;
	[tilespmem:s23+$0xC8C0] =	vst v5;
	v5 =	vld [tilespmem:s23+$0x6530]  }
0x37: {  	v0 =	vmul.f32 $1.250000000e-01, v0;
	[tilespmem:s23+$0xC8E0] =	vst v1;
	v1 =	vld [tilespmem:s23+$0x6550]  }
0x38: {  	[tilespmem:s23+$0xC8D0] =	vst v6;
	v6 =	vld [tilespmem:s23+$0x6540];
	v2 =	vmul.f32 $1.250000000e-01, v2  }
0x39: {  	[tilespmem:s23+$0xC8F0] =	vst v0;
	v0 =	vmul.f32 $1.250000000e-01, v3;
	v3 =	vld [tilespmem:s23+$0x6570]  }
0x3a: {  	v7 =	vld [tilespmem:s23+$0x6560];
	[tilespmem:s23+$0xC900] =	vst v2;
	v2 =	vmul.f32 $1.250000000e-01, v4  }
0x3b: {  	v4 =	vld [tilespmem:s23+$0x6580];
	[tilespmem:s23+$0xC910] =	vst v0;
	v0 =	vmul.f32 $1.250000000e-01, v5  }
0x3c: {  	v8 =	vld [tilespmem:s23+$0x6590];
	[tilespmem:s23+$0xC920] =	vst v2;
	v5 =	vmul.f32 $1.250000000e-01, v1  }
0x3d: {  	v2 =	vmul.f32 $1.250000000e-01, v6;
	[tilespmem:s23+$0xC930] =	vst v0;
	v0 =	vld [tilespmem:s23+$0x65A0]  }
0x3e: {  	v1 =	vld [tilespmem:s23+$0x65B0];
	[tilespmem:s23+$0xC950] =	vst v5;
	v5 =	vmul.f32 $1.250000000e-01, v3  }
0x3f: {  	v6 =	vmul.f32 $1.250000000e-01, v7;
	[tilespmem:s23+$0xC940] =	vst v2;
	v2 =	vld [tilespmem:s23+$0x65C0]  }
0x40: {  	v3 =	vld [tilespmem:s23+$0x65D0];
	[tilespmem:s23+$0xC970] =	vst v5;
	v5 =	vmul.f32 $1.250000000e-01, v4  }
0x41: {  	s24 =	simm.s32 $0x200;
	s25 =	simm.s32 $0x1000;
	s22 =	sshll.u32 s21, $0x1;
	[tilespmem:s23+$0xC960] =	vst v6;
	v6 =	vmul.f32 $1.250000000e-01, v8;
	v4 =	vld [tilespmem:s23+$0x65E0]  }
.LBB2_3:
0x42: {  	p1 =	sne.s32 s25, $0xC000;
	v7 =	vld [tilespmem:s24+$0x65F0];
	[tilespmem:s23+$0xC980] =	vst v5;
	v0 =	vmul.f32 $1.250000000e-01, v0  }
0x43: {  	v5 =	vld [tilespmem:s24+$0x6400];
	[tilespmem:s23+$0xC990] =	vst v6;
	v1 =	vmul.f32 $1.250000000e-01, v1  }
0x44: {  	v6 =	vld [tilespmem:s24+$0x6410];
	[tilespmem:s23+$0xC9A0] =	vst v0;
	v0 =	vmul.f32 $1.250000000e-01, v2  }
0x45: {  	v2 =	vld [tilespmem:s24+$0x6420];
	[tilespmem:s23+$0xC9B0] =	vst v1;
	v1 =	vmul.f32 $1.250000000e-01, v3  }
0x46: {  	v3 =	vld [tilespmem:s24+$0x6430];
	[tilespmem:s23+$0xC9C0] =	vst v0;
	v0 =	vmul.f32 $1.250000000e-01, v4  }
0x47: {  	v4 =	vld [tilespmem:s24+$0x6440];
	v7 =	vmul.f32 $1.250000000e-01, v7;
	[tilespmem:s23+$0xC9D0] =	vst v1  }
0x48: {  	v1 =	vmul.f32 $1.250000000e-01, v5;
	v5 =	vld [tilespmem:s24+$0x6450];
	[tilespmem:s23+$0xC9E0] =	vst v0;
	s23 =	smov.u32 s24  }
0x49: {  	v0 =	vmul.f32 $1.250000000e-01, v6;
	v6 =	vld [tilespmem:s23+$0x6460];
	[tilespmem:s23+$0xC9F0] =	vst v7  }
0x4a: {  	[tilespmem:s23+$0xC800] =	vst v1;
	v1 =	vmul.f32 $1.250000000e-01, v2;
	v2 =	vld [tilespmem:s23+$0x6470]  }
0x4b: {  	[tilespmem:s23+$0xC810] =	vst v0;
	v0 =	vmul.f32 $1.250000000e-01, v3;
	v3 =	vld [tilespmem:s23+$0x6480]  }
0x4c: {  	[tilespmem:s23+$0xC820] =	vst v1;
	v1 =	vmul.f32 $1.250000000e-01, v4;
	v4 =	vld [tilespmem:s23+$0x6490]  }
0x4d: {  	[tilespmem:s23+$0xC830] =	vst v0;
	v0 =	vmul.f32 $1.250000000e-01, v5;
	v5 =	vld [tilespmem:s23+$0x64A0]  }
0x4e: {  	[tilespmem:s23+$0xC840] =	vst v1;
	v1 =	vmul.f32 $1.250000000e-01, v6;
	v6 =	vld [tilespmem:s23+$0x64B0]  }
0x4f: {  	[tilespmem:s23+$0xC850] =	vst v0;
	v0 =	vmul.f32 $1.250000000e-01, v2;
	v2 =	vld [tilespmem:s23+$0x64C0]  }
0x50: {  	[tilespmem:s23+$0xC860] =	vst v1;
	v1 =	vmul.f32 $1.250000000e-01, v3;
	v3 =	vld [tilespmem:s23+$0x64D0]  }
0x51: {  	[tilespmem:s23+$0xC870] =	vst v0;
	v0 =	vmul.f32 $1.250000000e-01, v4;
	v4 =	vld [tilespmem:s23+$0x64E0]  }
0x52: {  	[tilespmem:s23+$0xC880] =	vst v1;
	v1 =	vmul.f32 $1.250000000e-01, v5;
	v5 =	vld [tilespmem:s23+$0x64F0]  }
0x53: {  	[tilespmem:s23+$0xC890] =	vst v0;
	v0 =	vmul.f32 $1.250000000e-01, v6;
	v6 =	vld [tilespmem:s23+$0x6500]  }
0x54: {  	[tilespmem:s23+$0xC8A0] =	vst v1;
	v1 =	vmul.f32 $1.250000000e-01, v2;
	v2 =	vld [tilespmem:s23+$0x6510]  }
0x55: {  	[tilespmem:s23+$0xC8B0] =	vst v0;
	v0 =	vmul.f32 $1.250000000e-01, v3;
	v3 =	vld [tilespmem:s23+$0x6520]  }
0x56: {  	[tilespmem:s23+$0xC8C0] =	vst v1;
	v1 =	vmul.f32 $1.250000000e-01, v4;
	v4 =	vld [tilespmem:s23+$0x6530]  }
0x57: {  	[tilespmem:s23+$0xC8D0] =	vst v0;
	v0 =	vmul.f32 $1.250000000e-01, v5;
	v5 =	vld [tilespmem:s23+$0x6540]  }
0x58: {  	[tilespmem:s23+$0xC8E0] =	vst v1;
	v1 =	vmul.f32 $1.250000000e-01, v6;
	v6 =	vld [tilespmem:s23+$0x6550]  }
0x59: {  	[tilespmem:s23+$0xC8F0] =	vst v0;
	v0 =	vmul.f32 $1.250000000e-01, v2;
	v2 =	vld [tilespmem:s23+$0x6560]  }
0x5a: {  	[tilespmem:s23+$0xC900] =	vst v1;
	v1 =	vmul.f32 $1.250000000e-01, v3;
	v3 =	vld [tilespmem:s23+$0x6570]  }
0x5b: {  	[tilespmem:s23+$0xC910] =	vst v0;
	v0 =	vmul.f32 $1.250000000e-01, v4;
	v4 =	vld [tilespmem:s23+$0x6580]  }
0x5c: {  	[tilespmem:s23+$0xC920] =	vst v1;
	v1 =	vmul.f32 $1.250000000e-01, v5;
	v7 =	vld [tilespmem:s23+$0x6590]  }
.Ltmp2:
0x5d: {  	[tilespmem:s23+$0xC930] =	vst v0;
	v5 =	vmul.f32 $1.250000000e-01, v6;
	v0 =	vld [tilespmem:s23+$0x65A0];
	(pc) =	sbr.rel @p1 .LBB2_3-.Ltmp2, $4  }
0x5e: {  	[tilespmem:s23+$0xC940] =	vst v1;
	v6 =	vmul.f32 $1.250000000e-01, v2;
	v1 =	vld [tilespmem:s23+$0x65B0]  }
0x5f: {  	[tilespmem:s23+$0xC950] =	vst v5;
	v8 =	vmul.f32 $1.250000000e-01, v3;
	v2 =	vld [tilespmem:s23+$0x65C0]  }
0x60: {  	[tilespmem:s23+$0xC960] =	vst v6;
	v5 =	vmul.f32 $1.250000000e-01, v4;
	v3 =	vld [tilespmem:s23+$0x65D0]  }
0x61: {  	s24 =	sshra.s32 s25, $0x2;
	s25 =	sadd.s32 $0x800, s25;
	[tilespmem:s23+$0xC970] =	vst v8;
	v6 =	vmul.f32 $1.250000000e-01, v7;
	v4 =	vld [tilespmem:s23+$0x65E0]  }
0x62: {  	v7 =	vld [tilespmem:s24+$0x65F0];
	[tilespmem:s23+$0xC980] =	vst v5;
	v0 =	vmul.f32 $1.250000000e-01, v0  }
0x63: {  	v5 =	vld [tilespmem:s24+$0x6400];
	[tilespmem:s23+$0xC990] =	vst v6;
	v1 =	vmul.f32 $1.250000000e-01, v1  }
0x64: {  	v6 =	vld [tilespmem:s24+$0x6410];
	[tilespmem:s23+$0xC9A0] =	vst v0;
	v2 =	vmul.f32 $1.250000000e-01, v2  }
0x65: {  	v0 =	vld [tilespmem:s24+$0x6420];
	[tilespmem:s23+$0xC9B0] =	vst v1;
	v3 =	vmul.f32 $1.250000000e-01, v3  }
0x66: {  	v1 =	vld [tilespmem:s24+$0x6430];
	[tilespmem:s23+$0xC9C0] =	vst v2;
	v4 =	vmul.f32 $1.250000000e-01, v4  }
0x67: {  	v2 =	vld [tilespmem:s24+$0x6440];
	[tilespmem:s23+$0xC9D0] =	vst v3;
	v7 =	vmul.f32 $1.250000000e-01, v7  }
0x68: {  	v3 =	vld [tilespmem:s24+$0x6450];
	[tilespmem:s23+$0xC9E0] =	vst v4;
	v4 =	vmul.f32 $1.250000000e-01, v5  }
0x69: {  	v5 =	vld [tilespmem:s24+$0x6460];
	[tilespmem:s24+$0xC9F0] =	vst v7;
	v6 =	vmul.f32 $1.250000000e-01, v6  }
0x6a: {  	[tilespmem:s24+$0xC800] =	vst v4;
	v4 =	vld [tilespmem:s24+$0x6470];
	v0 =	vmul.f32 $1.250000000e-01, v0  }
0x6b: {  	[tilespmem:s24+$0xC810] =	vst v6;
	v6 =	vld [tilespmem:s24+$0x6480];
	v1 =	vmul.f32 $1.250000000e-01, v1  }
0x6c: {  	[tilespmem:s24+$0xC820] =	vst v0;
	v0 =	vld [tilespmem:s24+$0x6490];
	v2 =	vmul.f32 $1.250000000e-01, v2  }
0x6d: {  	[tilespmem:s24+$0xC830] =	vst v1;
	v1 =	vld [tilespmem:s24+$0x64A0];
	v3 =	vmul.f32 $1.250000000e-01, v3  }
0x6e: {  	[tilespmem:s24+$0xC840] =	vst v2;
	v2 =	vld [tilespmem:s24+$0x64B0];
	v5 =	vmul.f32 $1.250000000e-01, v5  }
0x6f: {  	[tilespmem:s24+$0xC850] =	vst v3;
	v3 =	vld [tilespmem:s24+$0x64C0];
	v4 =	vmul.f32 $1.250000000e-01, v4  }
0x70: {  	[tilespmem:s24+$0xC860] =	vst v5;
	v5 =	vld [tilespmem:s24+$0x64D0];
	v6 =	vmul.f32 $1.250000000e-01, v6  }
0x71: {  	[tilespmem:s24+$0xC870] =	vst v4;
	v4 =	vld [tilespmem:s24+$0x64E0];
	v0 =	vmul.f32 $1.250000000e-01, v0  }
0x72: {  	[tilespmem:s24+$0xC880] =	vst v6;
	v6 =	vld [tilespmem:s24+$0x64F0];
	v1 =	vmul.f32 $1.250000000e-01, v1  }
0x73: {  	[tilespmem:s24+$0xC890] =	vst v0;
	v0 =	vld [tilespmem:s24+$0x6500];
	v2 =	vmul.f32 $1.250000000e-01, v2  }
0x74: {  	[tilespmem:s24+$0xC8A0] =	vst v1;
	v1 =	vld [tilespmem:s24+$0x6510];
	v3 =	vmul.f32 $1.250000000e-01, v3  }
0x75: {  	[tilespmem:s24+$0xC8B0] =	vst v2;
	v2 =	vld [tilespmem:s24+$0x6520];
	v5 =	vmul.f32 $1.250000000e-01, v5  }
0x76: {  	[tilespmem:s24+$0xC8C0] =	vst v3;
	v3 =	vld [tilespmem:s24+$0x6530];
	v4 =	vmul.f32 $1.250000000e-01, v4  }
0x77: {  	[tilespmem:s24+$0xC8D0] =	vst v5;
	v5 =	vld [tilespmem:s24+$0x6540];
	v6 =	vmul.f32 $1.250000000e-01, v6  }
0x78: {  	[tilespmem:s24+$0xC8E0] =	vst v4;
	v4 =	vld [tilespmem:s24+$0x6550];
	v0 =	vmul.f32 $1.250000000e-01, v0  }
0x79: {  	[tilespmem:s24+$0xC8F0] =	vst v6;
	v6 =	vld [tilespmem:s24+$0x6560];
	v1 =	vmul.f32 $1.250000000e-01, v1  }
0x7a: {  	[tilespmem:s24+$0xC900] =	vst v0;
	v0 =	vld [tilespmem:s24+$0x6570];
	v2 =	vmul.f32 $1.250000000e-01, v2  }
0x7b: {  	[tilespmem:s24+$0xC910] =	vst v1;
	v1 =	vld [tilespmem:s24+$0x6580];
	v3 =	vmul.f32 $1.250000000e-01, v3  }
0x7c: {  	[tilespmem:s24+$0xC920] =	vst v2;
	v2 =	vld [tilespmem:s24+$0x6590];
	v5 =	vmul.f32 $1.250000000e-01, v5  }
0x7d: {  	[tilespmem:s24+$0xC930] =	vst v3;
	v3 =	vld [tilespmem:s24+$0x65A0];
	v4 =	vmul.f32 $1.250000000e-01, v4  }
0x7e: {  	[tilespmem:s24+$0xC940] =	vst v5;
	v5 =	vld [tilespmem:s24+$0x65B0];
	v6 =	vmul.f32 $1.250000000e-01, v6  }
0x7f: {  	[tilespmem:s24+$0xC950] =	vst v4;
	v4 =	vld [tilespmem:s24+$0x65C0];
	v0 =	vmul.f32 $1.250000000e-01, v0  }
0x80: {  	[tilespmem:s24+$0xC960] =	vst v6;
	v6 =	vld [tilespmem:s24+$0x65D0];
	v1 =	vmul.f32 $1.250000000e-01, v1  }
0x81: {  	[tilespmem:s24+$0xC970] =	vst v0;
	v0 =	vmul.f32 $1.250000000e-01, v2;
	v2 =	vld [tilespmem:s24+$0x65E0]  }
0x82: {  	[tilespmem:s24+$0xC980] =	vst v1;
	v1 =	vmul.f32 $1.250000000e-01, v3  }
0x83: {  	[tilespmem:s24+$0xC990] =	vst v0;
	v0 =	vmul.f32 $1.250000000e-01, v5  }
0x84: {  	[tilespmem:s24+$0xC9A0] =	vst v1;
	v1 =	vmul.f32 $1.250000000e-01, v4  }
0x85: {  	s31 =	sadd.s32 s3, s22;
	[tilespmem:s24+$0xC9B0] =	vst v0;
	v0 =	vmul.f32 $1.250000000e-01, v6  }
0x86: {  	s23 =	smul.u32 $0xC80, s31;
	[tilespmem:s24+$0xC9C0] =	vst v1;
	v1 =	vmul.f32 $1.250000000e-01, v2  }
0x87: {  	p1 =	seq.s32 s21, $0x3F;
	[tilespmem:s24+$0xC9D0] =	vst v0  }
0x88: {  	s23 =	sadd.s32 s5, s23;
	[tilespmem:s24+$0xC9E0] =	vst v1;
	s24 =	smul.u32 @!p1 $0x640, s21  }
0x89: {  	[hbm4b:s23+s13] =	stream.strided.scatter [tilespmem:s15], [sflag:$0x3], $0x3200, s14, s13, $0x38;
	[tilespmem:$0x12C00] =	vst v63  }
0x8a: {  	s23 =	sshra.s32 @!p1 s24, $0x2  }
0x8b: {  	s25 =	simm.s32 @!p1 $0x6400;
	s24 =	simm.s32 @!p1 $0xC8;
	s23 =	sadd.s32 @!p1 $0x190, s23  }
0x8c: {  	[tilespmem:s25], [sflag:$0x1] =	stream.indirect.gather @!p1 [hbm4b:s4+s24], $0x40, s23, s24, $0xb8;
	[tilespmem:$0x12C00] =	vst v63  }
0x8d: {  	_ =	swait.ge [sflag:s16], $0x3200  }
0x8e: {  	[sflag:s16] =	ssyncset.done $0x0  }
0x8f: {  	s23 =	simm.s32 @!p0 $0x4;
	[sflag:s16] =	ssyncadd.s32 $0xFFFFCE00  }
0x90: {  	_ =	swait.ge @!p0 [sflag:s23], $0x3200  }
0x91: {  	[sflag:s23] =	ssyncset.done @!p0 $0x0  }
0x92: {  	[sflag:s23] =	ssyncadd.s32 @!p0 $0xFFFFCE00;
	s23 =	simm.s32 $0x0  }
0x93: {  	v0 =	vld [tilespmem:s23+$0x97F0]  }
0x94: {  	v1 =	vld [tilespmem:s23+$0x9600];
	_ =	sdelay $0x1  }
0x95: {  	v2 =	vld [tilespmem:s23+$0x9610]  }
0x96: {  	v3 =	vld [tilespmem:s23+$0x9620]  }
0x97: {  	v4 =	vld [tilespmem:s23+$0x9630];
	v0 =	vmul.f32 $1.250000000e-01, v0  }
0x98: {  	v5 =	vld [tilespmem:s23+$0x9640];
	v1 =	vmul.f32 $1.250000000e-01, v1  }
0x99: {  	v6 =	vld [tilespmem:s23+$0x9650];
	[tilespmem:s23+$0xFBF0] =	vst v0  }
0x9a: {  	v0 =	vmul.f32 $1.250000000e-01, v2;
	[tilespmem:s23+$0xFA00] =	vst v1;
	v1 =	vld [tilespmem:s23+$0x9670]  }
0x9b: {  	v7 =	vld [tilespmem:s23+$0x9660];
	v2 =	vmul.f32 $1.250000000e-01, v3  }
0x9c: {  	v3 =	vmul.f32 $1.250000000e-01, v4;
	[tilespmem:s23+$0xFA10] =	vst v0;
	v0 =	vld [tilespmem:s23+$0x9680]  }
0x9d: {  	v4 =	vmul.f32 $1.250000000e-01, v5;
	[tilespmem:s23+$0xFA20] =	vst v2;
	v2 =	vld [tilespmem:s23+$0x9690]  }
0x9e: {  	v5 =	vmul.f32 $1.250000000e-01, v6;
	[tilespmem:s23+$0xFA30] =	vst v3;
	v3 =	vld [tilespmem:s23+$0x96A0]  }
0x9f: {  	[tilespmem:s23+$0xFA40] =	vst v4;
	v4 =	vld [tilespmem:s23+$0x96B0];
	v1 =	vmul.f32 $1.250000000e-01, v1  }
0xa0: {  	v6 =	vmul.f32 $1.250000000e-01, v7;
	[tilespmem:s23+$0xFA50] =	vst v5;
	v5 =	vld [tilespmem:s23+$0x96C0]  }
0xa1: {  	v0 =	vmul.f32 $1.250000000e-01, v0;
	[tilespmem:s23+$0xFA70] =	vst v1;
	v1 =	vld [tilespmem:s23+$0x96E0]  }
0xa2: {  	[tilespmem:s23+$0xFA60] =	vst v6;
	v6 =	vld [tilespmem:s23+$0x96D0];
	v2 =	vmul.f32 $1.250000000e-01, v2  }
0xa3: {  	v3 =	vmul.f32 $1.250000000e-01, v3;
	[tilespmem:s23+$0xFA80] =	vst v0;
	v0 =	vld [tilespmem:s23+$0x96F0]  }
0xa4: {  	v4 =	vmul.f32 $1.250000000e-01, v4;
	[tilespmem:s23+$0xFA90] =	vst v2;
	v2 =	vld [tilespmem:s23+$0x9700]  }
0xa5: {  	v5 =	vmul.f32 $1.250000000e-01, v5;
	[tilespmem:s23+$0xFAA0] =	vst v3;
	v3 =	vld [tilespmem:s23+$0x9710]  }
0xa6: {  	[tilespmem:s23+$0xFAB0] =	vst v4;
	v4 =	vld [tilespmem:s23+$0x9720];
	v1 =	vmul.f32 $1.250000000e-01, v1  }
0xa7: {  	v6 =	vmul.f32 $1.250000000e-01, v6;
	[tilespmem:s23+$0xFAC0] =	vst v5;
	v5 =	vld [tilespmem:s23+$0x9730]  }
0xa8: {  	v0 =	vmul.f32 $1.250000000e-01, v0;
	[tilespmem:s23+$0xFAE0] =	vst v1;
	v1 =	vld [tilespmem:s23+$0x9750]  }
0xa9: {  	[tilespmem:s23+$0xFAD0] =	vst v6;
	v6 =	vld [tilespmem:s23+$0x9740];
	v2 =	vmul.f32 $1.250000000e-01, v2  }
0xaa: {  	[tilespmem:s23+$0xFAF0] =	vst v0;
	v0 =	vmul.f32 $1.250000000e-01, v3;
	v3 =	vld [tilespmem:s23+$0x9770]  }
0xab: {  	v7 =	vld [tilespmem:s23+$0x9760];
	[tilespmem:s23+$0xFB00] =	vst v2;
	v2 =	vmul.f32 $1.250000000e-01, v4  }
0xac: {  	v4 =	vld [tilespmem:s23+$0x9780];
	[tilespmem:s23+$0xFB10] =	vst v0;
	v0 =	vmul.f32 $1.250000000e-01, v5  }
0xad: {  	v8 =	vld [tilespmem:s23+$0x9790];
	[tilespmem:s23+$0xFB20] =	vst v2;
	v5 =	vmul.f32 $1.250000000e-01, v1  }
0xae: {  	v2 =	vmul.f32 $1.250000000e-01, v6;
	[tilespmem:s23+$0xFB30] =	vst v0;
	v0 =	vld [tilespmem:s23+$0x97A0]  }
0xaf: {  	v1 =	vld [tilespmem:s23+$0x97B0];
	[tilespmem:s23+$0xFB50] =	vst v5;
	v5 =	vmul.f32 $1.250000000e-01, v3  }
0xb0: {  	v6 =	vmul.f32 $1.250000000e-01, v7;
	[tilespmem:s23+$0xFB40] =	vst v2;
	v2 =	vld [tilespmem:s23+$0x97C0]  }
0xb1: {  	v3 =	vld [tilespmem:s23+$0x97D0];
	[tilespmem:s23+$0xFB70] =	vst v5;
	v5 =	vmul.f32 $1.250000000e-01, v4  }
0xb2: {  	s22 =	sor.u32 $0x1, s22;
	s24 =	simm.s32 $0x200;
	s25 =	simm.s32 $0x1000;
	[tilespmem:s23+$0xFB60] =	vst v6;
	v6 =	vmul.f32 $1.250000000e-01, v8;
	v4 =	vld [tilespmem:s23+$0x97E0]  }
.LBB2_5:
0xb3: {  	p0 =	sne.s32 s25, $0xC000;
	v7 =	vld [tilespmem:s24+$0x97F0];
	[tilespmem:s23+$0xFB80] =	vst v5;
	v0 =	vmul.f32 $1.250000000e-01, v0  }
0xb4: {  	v5 =	vld [tilespmem:s24+$0x9600];
	[tilespmem:s23+$0xFB90] =	vst v6;
	v1 =	vmul.f32 $1.250000000e-01, v1  }
0xb5: {  	v6 =	vld [tilespmem:s24+$0x9610];
	[tilespmem:s23+$0xFBA0] =	vst v0;
	v0 =	vmul.f32 $1.250000000e-01, v2  }
0xb6: {  	v2 =	vld [tilespmem:s24+$0x9620];
	[tilespmem:s23+$0xFBB0] =	vst v1;
	v1 =	vmul.f32 $1.250000000e-01, v3  }
0xb7: {  	v3 =	vld [tilespmem:s24+$0x9630];
	[tilespmem:s23+$0xFBC0] =	vst v0;
	v0 =	vmul.f32 $1.250000000e-01, v4  }
0xb8: {  	v4 =	vld [tilespmem:s24+$0x9640];
	v7 =	vmul.f32 $1.250000000e-01, v7;
	[tilespmem:s23+$0xFBD0] =	vst v1  }
0xb9: {  	v1 =	vmul.f32 $1.250000000e-01, v5;
	v5 =	vld [tilespmem:s24+$0x9650];
	[tilespmem:s23+$0xFBE0] =	vst v0;
	s23 =	smov.u32 s24  }
0xba: {  	v0 =	vmul.f32 $1.250000000e-01, v6;
	v6 =	vld [tilespmem:s23+$0x9660];
	[tilespmem:s23+$0xFBF0] =	vst v7  }
0xbb: {  	[tilespmem:s23+$0xFA00] =	vst v1;
	v1 =	vmul.f32 $1.250000000e-01, v2;
	v2 =	vld [tilespmem:s23+$0x9670]  }
0xbc: {  	[tilespmem:s23+$0xFA10] =	vst v0;
	v0 =	vmul.f32 $1.250000000e-01, v3;
	v3 =	vld [tilespmem:s23+$0x9680]  }
0xbd: {  	[tilespmem:s23+$0xFA20] =	vst v1;
	v1 =	vmul.f32 $1.250000000e-01, v4;
	v4 =	vld [tilespmem:s23+$0x9690]  }
0xbe: {  	[tilespmem:s23+$0xFA30] =	vst v0;
	v0 =	vmul.f32 $1.250000000e-01, v5;
	v5 =	vld [tilespmem:s23+$0x96A0]  }
0xbf: {  	[tilespmem:s23+$0xFA40] =	vst v1;
	v1 =	vmul.f32 $1.250000000e-01, v6;
	v6 =	vld [tilespmem:s23+$0x96B0]  }
0xc0: {  	[tilespmem:s23+$0xFA50] =	vst v0;
	v0 =	vmul.f32 $1.250000000e-01, v2;
	v2 =	vld [tilespmem:s23+$0x96C0]  }
0xc1: {  	[tilespmem:s23+$0xFA60] =	vst v1;
	v1 =	vmul.f32 $1.250000000e-01, v3;
	v3 =	vld [tilespmem:s23+$0x96D0]  }
0xc2: {  	[tilespmem:s23+$0xFA70] =	vst v0;
	v0 =	vmul.f32 $1.250000000e-01, v4;
	v4 =	vld [tilespmem:s23+$0x96E0]  }
0xc3: {  	[tilespmem:s23+$0xFA80] =	vst v1;
	v1 =	vmul.f32 $1.250000000e-01, v5;
	v5 =	vld [tilespmem:s23+$0x96F0]  }
0xc4: {  	[tilespmem:s23+$0xFA90] =	vst v0;
	v0 =	vmul.f32 $1.250000000e-01, v6;
	v6 =	vld [tilespmem:s23+$0x9700]  }
0xc5: {  	[tilespmem:s23+$0xFAA0] =	vst v1;
	v1 =	vmul.f32 $1.250000000e-01, v2;
	v2 =	vld [tilespmem:s23+$0x9710]  }
0xc6: {  	[tilespmem:s23+$0xFAB0] =	vst v0;
	v0 =	vmul.f32 $1.250000000e-01, v3;
	v3 =	vld [tilespmem:s23+$0x9720]  }
0xc7: {  	[tilespmem:s23+$0xFAC0] =	vst v1;
	v1 =	vmul.f32 $1.250000000e-01, v4;
	v4 =	vld [tilespmem:s23+$0x9730]  }
0xc8: {  	[tilespmem:s23+$0xFAD0] =	vst v0;
	v0 =	vmul.f32 $1.250000000e-01, v5;
	v5 =	vld [tilespmem:s23+$0x9740]  }
0xc9: {  	[tilespmem:s23+$0xFAE0] =	vst v1;
	v1 =	vmul.f32 $1.250000000e-01, v6;
	v6 =	vld [tilespmem:s23+$0x9750]  }
0xca: {  	[tilespmem:s23+$0xFAF0] =	vst v0;
	v0 =	vmul.f32 $1.250000000e-01, v2;
	v2 =	vld [tilespmem:s23+$0x9760]  }
0xcb: {  	[tilespmem:s23+$0xFB00] =	vst v1;
	v1 =	vmul.f32 $1.250000000e-01, v3;
	v3 =	vld [tilespmem:s23+$0x9770]  }
0xcc: {  	[tilespmem:s23+$0xFB10] =	vst v0;
	v0 =	vmul.f32 $1.250000000e-01, v4;
	v4 =	vld [tilespmem:s23+$0x9780]  }
0xcd: {  	[tilespmem:s23+$0xFB20] =	vst v1;
	v1 =	vmul.f32 $1.250000000e-01, v5;
	v7 =	vld [tilespmem:s23+$0x9790]  }
.Ltmp3:
0xce: {  	[tilespmem:s23+$0xFB30] =	vst v0;
	v5 =	vmul.f32 $1.250000000e-01, v6;
	v0 =	vld [tilespmem:s23+$0x97A0];
	(pc) =	sbr.rel @p0 .LBB2_5-.Ltmp3, $4  }
0xcf: {  	[tilespmem:s23+$0xFB40] =	vst v1;
	v6 =	vmul.f32 $1.250000000e-01, v2;
	v1 =	vld [tilespmem:s23+$0x97B0]  }
0xd0: {  	[tilespmem:s23+$0xFB50] =	vst v5;
	v8 =	vmul.f32 $1.250000000e-01, v3;
	v2 =	vld [tilespmem:s23+$0x97C0]  }
0xd1: {  	[tilespmem:s23+$0xFB60] =	vst v6;
	v5 =	vmul.f32 $1.250000000e-01, v4;
	v3 =	vld [tilespmem:s23+$0x97D0]  }
0xd2: {  	s24 =	sshra.s32 s25, $0x2;
	s25 =	sadd.s32 $0x800, s25;
	[tilespmem:s23+$0xFB70] =	vst v8;
	v6 =	vmul.f32 $1.250000000e-01, v7;
	v4 =	vld [tilespmem:s23+$0x97E0]  }
0xd3: {  	v7 =	vld [tilespmem:s24+$0x97F0];
	[tilespmem:s23+$0xFB80] =	vst v5;
	v0 =	vmul.f32 $1.250000000e-01, v0  }
0xd4: {  	v5 =	vld [tilespmem:s24+$0x9600];
	[tilespmem:s23+$0xFB90] =	vst v6;
	v1 =	vmul.f32 $1.250000000e-01, v1  }
0xd5: {  	v6 =	vld [tilespmem:s24+$0x9610];
	[tilespmem:s23+$0xFBA0] =	vst v0;
	v2 =	vmul.f32 $1.250000000e-01, v2  }
0xd6: {  	v0 =	vld [tilespmem:s24+$0x9620];
	[tilespmem:s23+$0xFBB0] =	vst v1;
	v3 =	vmul.f32 $1.250000000e-01, v3  }
0xd7: {  	v1 =	vld [tilespmem:s24+$0x9630];
	[tilespmem:s23+$0xFBC0] =	vst v2;
	v4 =	vmul.f32 $1.250000000e-01, v4  }
0xd8: {  	v2 =	vld [tilespmem:s24+$0x9640];
	[tilespmem:s23+$0xFBD0] =	vst v3;
	v7 =	vmul.f32 $1.250000000e-01, v7  }
0xd9: {  	v3 =	vld [tilespmem:s24+$0x9650];
	[tilespmem:s23+$0xFBE0] =	vst v4;
	v32 =	vmul.f32 $1.250000000e-01, v5  }
0xda: {  	v33 =	vld [tilespmem:s24+$0x9660];
	[tilespmem:s24+$0xFBF0] =	vst v7;
	v6 =	vmul.f32 $1.250000000e-01, v6  }
0xdb: {  	v34 =	vld [tilespmem:s24+$0x9670];
	[tilespmem:s24+$0xFA00] =	vst v32;
	v0 =	vmul.f32 $1.250000000e-01, v0  }
0xdc: {  	v35 =	vld [tilespmem:s24+$0x9680];
	[tilespmem:s24+$0xFA10] =	vst v6;
	v1 =	vmul.f32 $1.250000000e-01, v1  }
0xdd: {  	v36 =	vld [tilespmem:s24+$0x9690];
	[tilespmem:s24+$0xFA20] =	vst v0;
	v2 =	vmul.f32 $1.250000000e-01, v2  }
0xde: {  	v37 =	vld [tilespmem:s24+$0x96A0];
	[tilespmem:s24+$0xFA30] =	vst v1;
	v3 =	vmul.f32 $1.250000000e-01, v3  }
0xdf: {  	v38 =	vld [tilespmem:s24+$0x96B0];
	[tilespmem:s24+$0xFA40] =	vst v2;
	v5 =	vmul.f32 $1.250000000e-01, v33  }
0xe0: {  	v52 =	vld [tilespmem:s24+$0x9790];
	v4 =	vmul.f32 $1.250000000e-01, v34;
	[tilespmem:s24+$0xFA50] =	vst v3  }
0xe1: {  	v53 =	vld [tilespmem:s24+$0x97A0];
	v6 =	vmul.f32 $1.250000000e-01, v35;
	[tilespmem:s24+$0xFA60] =	vst v5  }
0xe2: {  	v54 =	vld [tilespmem:s24+$0x97B0];
	v0 =	vmul.f32 $1.250000000e-01, v36;
	[tilespmem:s24+$0xFA70] =	vst v4  }
0xe3: {  	v55 =	vld [tilespmem:s24+$0x97C0];
	v1 =	vmul.f32 $1.250000000e-01, v37;
	[tilespmem:s24+$0xFA80] =	vst v6  }
0xe4: {  	v56 =	vld [tilespmem:s24+$0x97D0];
	v2 =	vmul.f32 $1.250000000e-01, v38;
	[tilespmem:s24+$0xFA90] =	vst v0  }
0xe5: {  	v58 =	vld [tilespmem:s24+$0x97E0];
	v57 =	vmul.f32 $1.250000000e-01, v52;
	[tilespmem:s24+$0xFAA0] =	vst v1  }
0xe6: {  	v39 =	vld [tilespmem:s24+$0x96C0];
	v59 =	vmul.f32 $1.250000000e-01, v53;
	[tilespmem:s24+$0xFAB0] =	vst v2  }
0xe7: {  	v40 =	vld [tilespmem:s24+$0x96D0];
	v60 =	vmul.f32 $1.250000000e-01, v54;
	[tilespmem:s24+$0xFB90] =	vst v57  }
0xe8: {  	v41 =	vld [tilespmem:s24+$0x96E0];
	v61 =	vmul.f32 $1.250000000e-01, v55;
	[tilespmem:s24+$0xFBA0] =	vst v59  }
0xe9: {  	v42 =	vld [tilespmem:s24+$0x96F0];
	v62 =	vmul.f32 $1.250000000e-01, v56;
	[tilespmem:s24+$0xFBB0] =	vst v60  }
0xea: {  	v43 =	vld [tilespmem:s24+$0x9700];
	v63 =	vmul.f32 $1.250000000e-01, v58;
	[tilespmem:s24+$0xFBC0] =	vst v61  }
0xeb: {  	v44 =	vld [tilespmem:s24+$0x9710];
	v3 =	vmul.f32 $1.250000000e-01, v39;
	[tilespmem:s24+$0xFBD0] =	vst v62  }
0xec: {  	v45 =	vld [tilespmem:s24+$0x9720];
	v5 =	vmul.f32 $1.250000000e-01, v40;
	[tilespmem:s24+$0xFBE0] =	vst v63  }
0xed: {  	v46 =	vld [tilespmem:s24+$0x9730];
	v4 =	vmul.f32 $1.250000000e-01, v41;
	[tilespmem:s24+$0xFAC0] =	vst v3  }
0xee: {  	v47 =	vld [tilespmem:s24+$0x9740];
	v6 =	vmul.f32 $1.250000000e-01, v42;
	[tilespmem:s24+$0xFAD0] =	vst v5  }
0xef: {  	v48 =	vld [tilespmem:s24+$0x9750];
	v0 =	vmul.f32 $1.250000000e-01, v43;
	[tilespmem:s24+$0xFAE0] =	vst v4  }
0xf0: {  	v49 =	vld [tilespmem:s24+$0x9760];
	v1 =	vmul.f32 $1.250000000e-01, v44;
	[tilespmem:s24+$0xFAF0] =	vst v6  }
0xf1: {  	v50 =	vld [tilespmem:s24+$0x9770];
	v2 =	vmul.f32 $1.250000000e-01, v45;
	[tilespmem:s24+$0xFB00] =	vst v0  }
0xf2: {  	v51 =	vld [tilespmem:s24+$0x9780];
	v3 =	vmul.f32 $1.250000000e-01, v46;
	[tilespmem:s24+$0xFB10] =	vst v1  }
0xf3: {  	[tilespmem:s24+$0xFB20] =	vst v2;
	v5 =	vmul.f32 $1.250000000e-01, v47  }
0xf4: {  	v4 =	vmul.f32 $1.250000000e-01, v48;
	[tilespmem:s24+$0xFB30] =	vst v3  }
0xf5: {  	v6 =	vmul.f32 $1.250000000e-01, v49;
	[tilespmem:s24+$0xFB40] =	vst v5  }
.Ltmp4:
0xf6: {  	s22 =	sadd.s32 s3, s22;
	v0 =	vmul.f32 $1.250000000e-01, v50;
	[tilespmem:s24+$0xFB50] =	vst v4;
	(pc) =	sbr.rel @p1 .LBB2_8-.Ltmp4, $4  }
0xf7: {  	s22 =	smul.u32 $0xC80, s22;
	v1 =	vmul.f32 $1.250000000e-01, v51;
	[tilespmem:s24+$0xFB60] =	vst v6  }
0xf8: {  	[tilespmem:s24+$0xFB70] =	vst v0  }
0xf9: {  	s22 =	sadd.s32 s5, s22;
	[tilespmem:s24+$0xFB80] =	vst v1  }
0xfa: {  	[hbm4b:s22+s13] =	stream.strided.scatter [tilespmem:s17], [sflag:$0x4], $0x3200, s14, s13, $0x38;
	[tilespmem:$0x12C00] =	vst v63  }
0xfb: {  	s22 =	smul.u32 $0x640, s21  }
.Ltmp5:
0xfc: {  	_ = 	snop;
	(pc) =	sbr.rel .LBB2_2-.Ltmp5, $4  }
0xfd: {  	_ = 	snop  }
0xfe: {  	s22 =	sshra.s32 s22, $0x2  }
0xff: {  	s21 =	sadd.s32 $0x1, s21;
	s22 =	sadd.s32 $0x258, s22  }
0x100: {  	[tilespmem:s11], [sflag:$0x2] =	stream.indirect.gather [hbm4b:s4+s9], $0x40, s22, s9, $0xb8;
	[tilespmem:$0x12C00] =	vst v63  }
.LBB2_9:
0x101: {  	_ =	sfence.sel $0x180000  }
0x102: {  	[bflag:$0x0] =	sbarrier.arrive $0xFFFF  }
0x103: {  	p0 =	sne.s32 s1, $0x0;
	_ =	strace $0x90000047  }
0x104: {  	s0 =	sadd.s32 @!p0 $0x100000, s0;
	[bflag:$0x2] =	sbarrier.arrive $0xFFFF  }
0x105: {  	[sflag:s0] =	ssyncadd.tile.s32 @!p0 $0x1;
	_ =	shalt  }
.Lfunc_end2:
_tile_overlayer_lowered:
.L_overlay_start_2:
0x106: {  	(tag) =	ssettag $0x2  }
0x107: {  	s0 =	rddreg [dreg:$0x0];
	s2 =	stileid.u32  }
0x108: {  	s1 =	rddreg [dreg:$0x1];
	p0 =	sne.s32 s2, $0x0  }
0x109: {  	s3 =	rddreg [dreg:$0x2];
	[bflag:$0x3] =	sbarrier.arrive $0xFFFF;
	s2 =	simm.s32 @!p0 $0x1C05  }
0x10a: {  	[timem:s3], [sflag:s2] =	dma.local @!p0 [hbm:s0], s1  }
0x10b: {  	s0 =	simm.s32 @!p0 $0x5  }
0x10c: {  	_ =	swait.ge @!p0 [sflag:s0], s1  }
0x10d: {  	s1 =	ssub.s32 @!p0 $0x0, s1;
	[sflag:s0] =	ssyncset.done @!p0 $0x0  }
0x10e: {  	[sflag:s0] =	ssyncadd.s32 @!p0 s1  }
0x10f: {  	[bflag:$0x3] =	sbarrier.arrive $0xFFFF  }
0x110: {  	_ =	shalt  }

// kernel: sparse-core-data-format-call.cloned.1.call-start
scs
called_computation_lowered:
.L_overlay_start_0:
0x0: {  	s2 =	sld [smem:$0x3FD9]  }
0x1: {  	s3 =	sld [smem:$0x3FFE];
	_ =	sdelay $0x1  }
0x2: {  	s1 =	srdreg.scid  }
0x3: {  	s0 =	sand.u32 $0x1, s1  }
0x4: {  	s18 =	sshll.u32 s0, $0xA;
	s2 =	sadd.s32 s3, s2  }
0x5: {  	s2 =	sadd.s32 s2, s18  }
0x6: {  	[smem:$0x3FC6] =	sst s2  }
0x7: {  	_ = 	snop  }
0x8: {  	s2 =	sld [smem:$0x3FD0];
	(tm) =	ssettm $0x1  }
0x9: {  	s19 =	sld [smem:$0x3FFB];
	_ =	sdelay $0x3  }
0xa: {  	_ =	strace s19  }
0xb: {  	s3 =	sld [smem:$0x3FFC];
	_ =	sdelay $0x3  }
0xc: {  	_ =	strace s3  }
0xd: {  	s3 =	sld [smem:$0x3FFD];
	_ =	sdelay $0x3  }
0xe: {  	_ =	strace s3  }
0xf: {  	_ =	strace $0x8FFFFFFF  }
0x10: {  	s20 =	sld [smem:$0x3FDB];
	_ =	sdelay $0x1  }
0x11: {  	s4 =	simm.s32 $_scs_section_size  }
0x12: {  	s5 =	simm.s32 $_size__tile_overlayer_lowered;
	s6 =	simm.s32 $_tile_overlayer_lowered  }
0x13: {  	s23 =	simm.s32 $0x1BFF;
	s22 =	sshll.u32 s6, $0x1;
	s3 =	sadd.s32 s4, s20  }
0x14: {  	s7 =	simm.s32 $0x0;
	s21 =	sshll.u32 s5, $0x1;
	s5 =	sadd.s32 s22, s3  }
0x15: {  	[timem:s7], [sflag:s23] =	dma.local [hbm:s5], s21  }
0x16: {  	_ =	swait.ge [sflag:s23], s21  }
0x17: {  	s4 =	ssub.s32 $0x0, s21;
	[sflag:s23] =	ssyncset.done $0x0  }
0x18: {  	[sflag:s23] =	ssyncadd.s32 s4;
	_ =	sdelay $0x1  }
0x19: {  	s24 =	simm.s32 $0x1B8B  }
0x1a: {  	_ =	swait.ge [sflag:s24], $0x1  }
0x1b: {  	[sflag:s24] =	ssyncset.done $0x0  }
0x1c: {  	s26 =	simm.s32 $0x1B8E;
	s25 =	sld [smem:$0x3FFE];
	[sflag:s24] =	ssyncadd.s32 $0xFFFFFFFF  }
0x1d: {  	s27 =	simm.s32 $execute0_lowered;
	[smem:$0x3FD2] =	sst s26  }
0x1e: {  	s5 =	sshll.u32 s27, $0x1;
	_ =	strace $0x80000049;
	[dreg:$0x1] =	wrdreg $0xFFFFFFFF  }
0x1f: {  	s28 =	simm.s32 $_size_execute0_lowered;
	s3 =	sadd.s32 s3, s5;
	[dreg:$0x0] =	wrdreg $0x0  }
0x20: {  	s5 =	sshll.u32 s28, $0x1;
	[dreg:$0x2] =	wrdreg s3  }
0x21: {  	[dreg:$0x3] =	wrdreg s5  }
0x22: {  	[dreg:$0x4] =	wrdreg $0xC0  }
0x23: {  	_ =	task [dreg:s7], $0x5FFFF  }
0x24: {  	[dreg:$0x1] =	wrdreg $0xFFFFFFFF  }
0x25: {  	[dreg:$0x0] =	wrdreg $0x60  }
0x26: {  	[dreg:$0x2] =	wrdreg s25  }
0x27: {  	[dreg:$0x3] =	wrdreg s2  }
0x28: {  	[dreg:$0x4] =	wrdreg $0x9  }
0x29: {  	_ =	task.clear_ibuf [dreg:s7], $0x5FFFF;
	_ =	strace $0x90000049  }
0x2a: {  	s29 =	simm.s32 $0x9;
	_ =	strace $0x8000004B  }
0x2b: {  	_ =	swait.ge [sflag:s29], $0x1  }
0x2c: {  	[sflag:s29] =	ssyncadd.s32 $0xFFFFFFFF  }
0x2d: {  	_ =	strace $0x9000004B  }
0x2e: {  	_ =	sfence  }
0x2f: {  	s30 =	sld [smem:$0x0];
	_ =	sdelay $0x2  }
0x30: {  	s31 =	sshll.u32 s1, $0xD;
	s1 =	sshrl.u32 s1, $0x2  }
0x31: {  	s3 =	sand.u32 $0x4000, s31;
	s1 =	sadd.s32 s1, s30  }
0x32: {  	s0 =	sor.u32 s3, s0;
	s1 =	sshll.u32 s1, $0x11  }
0x33: {  	s0 =	sor.u32 s1, s0  }
0x34: {  	s0 =	sadd.s32 $0x8F2B, s0  }
0x35: {  	[sflag:s0] =	ssyncadd.remote.s32 $0x1  }
0x36: {  	_ =	sfence.sel $0xFFFF  }
0x37: {  	[dreg:$0x0] =	wrdreg $0xFFFFFFFF;
	(pc) =	sbr.abs _section_cstart, $3  }
0x38: {  	[dreg:$0x1] =	wrdreg $0xFFFFFFFF  }
0x39: {  	_ =	task.clear_ibuf [dreg:s7], $0x2FFFF;
	_ =	strace $0x9FFFFFFF  }
0x3a: {  	(tm) =	ssettm $0x7FFFFFFF  }
0x3b: {  	_ =	shalt  }
tec
execute0_lowered:
.L_overlay_start_1:
0x0: {  	(tag) =	ssettag $0x1  }
0x1: {  	s0 =	srdreg.scid  }
0x2: {  	s1 =	sshll.u32 s0, $0x4  }
0x3: {  	s0 =	stileid.u32;
	s1 =	sand.u32 $0x10, s1  }
0x4: {  	s1 =	sor.u32 s0, s1  }
0x5: {  	s6 =	rddreg [dreg:$0x0];
	s4 =	simm.s32 $0x1;
	s2 =	sshll.u32 s1, $0x7  }
0x6: {  	s7 =	simm.s32 $0x2;
	s12 =	simm.s32 $0x0;
	s1 =	ssub.s32 $0x1000, s2  }
0x7: {  	s8 =	simm.s32 $0x8000;
	s13 =	simm.s32 $0x0;
	s3 =	sand.u32 $0xF80, s1  }
0x8: {  	s9 =	simm.s32 $0x0;
	s5 =	sshrl.u32 s1, $0xC;
	p0 =	sne.s32 s3, $0x0  }
.Ltmp0:
0x9: {  	s1 =	rddreg [dreg:$0x2];
	s4 =	simm.s32 @!p0 $0x0;
	(pc) =	sbr.rel .LBB1_1-.Ltmp0, $4  }
0xa: {  	s11 =	simm.s32 $0x0;
	s3 =	rddreg [dreg:$0x1];
	s5 =	sadd.s32 s4, s5  }
0xb: {  	_ =	strace $0x8000004A;
	s4 =	simm.s32 $0x1;
	s5 =	smul.u32 $0xC8, s5  }
0xc: {  	s6 =	sadd.s32 $0xA00, s6;
	s10 =	smov.u32 s2;
	[sflag:s4] =	ssyncpa.u1 $0x0  }
0xd: {  	p0 =	por $0x0, $0x0;
	[sflag:s7] =	ssyncpa.u1 $0x0;
	s7 =	sor.u32 $0x1, s5  }
.LBB1_4:
0xe: {  	s16 =	sshll.u32 s13, $0x3;
	s17 =	sand.u32 $0x78, s13  }
0xf: {  	s30 =	sand.u32 $0x7E00, s13;
	s12 =	sshll.u32 s12, $0xF;
	s16 =	sand.u32 $0xC00, s16  }
0x10: {  	[tilespmem:s15+$0x810 ss:$0x81] =	vst.msk $0xffff, v2;
	s31 =	sand.u32 $0x7, s13;
	s16 =	sor.u32 s17, s16;
	s17 =	sadd.s32 s3, s30  }
0x11: {  	[tilespmem:s15+$0x1020 ss:$0x81] =	vst.msk $0xffff, v0;
	s13 =	sshll.u32 s31, $0x12;
	s12 =	sadd.s32 s12, s17;
	s16 =	sshrl.u32 s16, $0x3  }
0x12: {  	[tilespmem:s15+$0x0 ss:$0x81] =	vst.msk $0xffff, v1;
	s13 =	sor.u32 $0x400, s13;
	s12 =	sadd.s32 s16, s12  }
0x13: {  	[hbm4b:s12+s13] =	stream.strided.scatter [tilespmem:s14], [sflag:$0x2], $0x2000, s8, s13, $0x20;
	[tilespmem:$0x8080] =	vst v63  }
.LBB1_5:
0x14: {  	s14 =	sadd.s32 $0x1, s9  }
0x15: {  	s12 =	sadd.s32 $0x1000, s10;
	s16 =	smov.u32 s10;
	p2 =	sgt.s32 s14, $0xC7  }
0x16: {  	s16 =	smov.u32 @p2 s12  }
0x17: {  	s14 =	simm.s32 @p2 $0x0;
	p2 =	sgt.s32 s16, $0xFFF  }
0x18: {  	s16 =	smov.u32 @p2 s2;
	p2 =	sne.s32 s11, s7  }
.Ltmp1:
0x19: {  	p1 =	slt.u32 s11, $0x2;
	(pc) =	sbr.rel @!p2 .LBB1_6-.Ltmp1, $4  }
0x1a: {  	s15 =	simm.s32 @!p1 $0x2  }
0x1b: {  	s13 =	smov.u32 s10;
	p0 =	por !p0, !p0;
	_ =	swait.ge @!p1 [sflag:s15], $0x2000  }
0x1c: {  	s12 =	smov.u32 s9;
	[sflag:s15] =	ssyncset.done @!p1 $0x0;
	s9 =	smov.u32 s14  }
0x1d: {  	s11 =	sadd.s32 $0x1, s11;
	[sflag:s15] =	ssyncadd.s32 @!p1 $0xFFFFE000;
	s10 =	smov.u32 s16  }
.LBB1_1:
0x1e: {  	p1 =	sge.u32 s11, s5  }
0x1f: {  	s14 =	sand.u32 @!p1 $0x1FFFFFF, s9  }
0x20: {  	s15 =	smulhi.u32 @!p1 $0x147AE15, s14;
	_ =	sdelay $0x1  }
0x21: {  	s15 =	smul.u32 @!p1 $0xC8, s15  }
0x22: {  	s16 =	sxor.u32 @!p1 $0xFFFFFFFF, s11;
	s17 =	smul.u32 @!p1 $0xC80, s10  }
0x23: {  	s31 =	sadd.s32 $0xFFFFFFFF, s11;
	s16 =	sshll.u32 @!p1 s16, $0xD;
	s14 =	ssub.s32 @!p1 s14, s15  }
0x24: {  	s15 =	sand.u32 @!p1 $0x2000, s16;
	s16 =	sadd.s32 @!p1 s6, s17;
	s14 =	sshll.u32 @!p1 s14, $0x4  }
0x25: {  	s17 =	simm.s32 @!p1 $0x6400;
	s14 =	sadd.s32 @!p1 s14, s16;
	s16 =	simm.s32 @!p1 $0x40  }
0x26: {  	[tilespmem:s15], [sflag:$0x1] =	stream.strided.gather @!p1 [hbm4b:s14+s16], $0x2000, s17, s16, $0x38;
	[tilespmem:$0x8080] =	vst v63  }
0x27: {  	p1 =	sge.u32 s31, s5  }
.Ltmp2:
0x28: {  	_ = 	snop;
	(pc) =	sbr.rel @p1 .LBB1_5-.Ltmp2, $1  }
0x29: {  	_ =	sdelay $0x3  }
0x2a: {  	s14 =	simm.s32 $0x1  }
0x2b: {  	_ =	swait.ge [sflag:s4], $0x2000;
	s14 =	simm.s32 @!p0 $0x0  }
0x2c: {  	[sflag:s4] =	ssyncset.done $0x0;
	s15 =	sshll.u32 s14, $0xD  }
0x2d: {  	[sflag:s4] =	ssyncadd.s32 $0xFFFFE000;
	s18 =	sor.u32 $0x20, s15  }
0x2e: {  	s14 =	smul.u32 $0x8100, s14;
	v3 =	vld [tilespmem:s18+$0x10]  }
0x2f: {  	s30 =	sand.u32 $0x1, s11;
	v2 =	vld [tilespmem:s18+$0xFFFFFFF0]  }
0x30: {  	s15 =	smul.u32 $0x8100, s30;
	s14 =	sshrl.u32 s14, $0x2;
	v0 =	vld [tilespmem:s18+$0x0]  }
0x31: {  	v1 =	vld [tilespmem:s18+$0xFFFFFFE0];
	s16 =	sor.u32 $0x4000, s14  }
0x32: {  	s31 =	sshrl.u32 s15, $0x2;
	s15 =	sadd.s32 $0x0, s16  }
0x33: {  	s17 =	simm.s32 $0x4;
	s18 =	sadd.s32 $0x40, s18;
	s14 =	sor.u32 $0x4000, s31;
	[tilespmem:s15+$0x1830 ss:$0x81] =	vst.msk $0xffff, v3  }
.LBB1_3:
0x34: {  	v3 =	vld [tilespmem:s18+$0x10];
	p1 =	sne.s32 s17, $0x1FC;
	[tilespmem:s15+$0x810 ss:$0x81] =	vst.msk $0xffff, v2;
	s19 =	smov.u32 s17;
	s17 =	sadd.s32 $0x4, s17  }
.Ltmp3:
0x35: {  	v2 =	vld [tilespmem:s18+$0xFFFFFFF0];
	[tilespmem:s15+$0x1020 ss:$0x81] =	vst.msk $0xffff, v0;
	(pc) =	sbr.rel @p1 .LBB1_3-.Ltmp3, $4  }
0x36: {  	v0 =	vld [tilespmem:s18+$0x0];
	[tilespmem:s15+$0x0 ss:$0x81] =	vst.msk $0xffff, v1  }
0x37: {  	s15 =	sshra.s32 s19, $0x2;
	v1 =	vld [tilespmem:s18+$0xFFFFFFE0]  }
0x38: {  	s15 =	sadd.s32 s15, s16  }
0x39: {  	s18 =	sadd.s32 $0x40, s18;
	[tilespmem:s15+$0x1830 ss:$0x81] =	vst.msk $0xffff, v3  }
.Ltmp4:
0x3a: {  	_ = 	snop;
	(pc) =	sbr.rel .LBB1_4-.Ltmp4, $1  }
0x3b: {  	_ =	sdelay $0x3  }
.LBB1_6:
0x3c: {  	_ =	sfence.sel $0x180000  }
0x3d: {  	s2 =	simm.s32 $0x1;
	[bflag:$0x0] =	sbarrier.arrive $0xFFFF  }
0x3e: {  	s31 =	simm.s32 $0x2;
	[sflag:s2] =	ssyncpa.u1 $0x1  }
0x3f: {  	[sflag:s31] =	ssyncpa.u1 $0x1  }
0x40: {  	p0 =	sne.s32 s0, $0x0;
	_ =	strace $0x9000004A  }
0x41: {  	s0 =	sadd.s32 @!p0 $0x100000, s1;
	[bflag:$0x2] =	sbarrier.arrive $0xFFFF  }
0x42: {  	[sflag:s0] =	ssyncadd.tile.s32 @!p0 $0x1;
	_ =	shalt  }
.Lfunc_end1:
_tile_overlayer_lowered:
.L_overlay_start_2:
0x43: {  	(tag) =	ssettag $0x2  }
0x44: {  	s0 =	rddreg [dreg:$0x0];
	s2 =	stileid.u32  }
0x45: {  	s1 =	rddreg [dreg:$0x1];
	p0 =	sne.s32 s2, $0x0  }
0x46: {  	s3 =	rddreg [dreg:$0x2];
	[bflag:$0x3] =	sbarrier.arrive $0xFFFF;
	s2 =	simm.s32 @!p0 $0x1C01  }
0x47: {  	[timem:s3], [sflag:s2] =	dma.local @!p0 [hbm:s0], s1  }
0x48: {  	s0 =	simm.s32 @!p0 $0x1  }
0x49: {  	_ =	swait.ge @!p0 [sflag:s0], s1  }
0x4a: {  	s1 =	ssub.s32 @!p0 $0x0, s1;
	[sflag:s0] =	ssyncset.done @!p0 $0x0  }
0x4b: {  	[sflag:s0] =	ssyncadd.s32 @!p0 s1  }
0x4c: {  	[bflag:$0x3] =	sbarrier.arrive $0xFFFF  }
0x4d: {  	_ =	shalt  }

</sc_bundles>
